<compile_context>
chip_gen: v7x
topology: tpu7x:2x2x1
jax: 0.10.2.dev20260603
libtpu: 0.0.44.dev20260713+nightly
codegen_flags: <defaults>
</compile_context>

<pallas_src>
import jax
import jax.numpy as jnp
from jax import lax
from jax.experimental import pallas as pl
from jax.experimental.pallas import tpu as pltpu
from jax.experimental.pallas import tpu_sc as plsc

NE = 64
NTOK = 2048
D = 768
BT = 128
NB = NTOK // BT
S = NB + NE
NC = 2
NS = 16
NW = NC * NS
TPW = NTOK // NW
L = 16
NTP = (NB + 1) * BT



def _gate_body(x_ref, gw_ref, gb_ref, pos_ref, prob_ref, meta_ref, inv_ref):
    x = x_ref[...]
    scores = lax.dot_general(x, gw_ref[...], (((1,), (1,)), ((), ())),
                             preferred_element_type=jnp.float32)
    scores = scores + gb_ref[...]
    m = jnp.max(scores, axis=1, keepdims=True)
    ex = jnp.exp(scores - m)
    lane = lax.broadcasted_iota(jnp.int32, scores.shape, 1)
    eid = jnp.min(jnp.where(scores == m, lane, NE), axis=1, keepdims=True)
    oh = (lane == eid).astype(jnp.float32)
    counts = jnp.sum(oh, axis=0, keepdims=True)
    ei = lax.broadcasted_iota(jnp.int32, (NE, NE), 0)
    ej = lax.broadcasted_iota(jnp.int32, (NE, NE), 1)
    sum_mask = ei < ej

    def excl_prefix(v):
        vb = jnp.broadcast_to(v.reshape(NE, 1), (NE, NE))
        return jnp.sum(jnp.where(sum_mask, vb, 0.0), axis=0, keepdims=True)

    starts = excl_prefix(counts)
    ri = lax.broadcasted_iota(jnp.int32, (BT, BT), 0)
    rj = lax.broadcasted_iota(jnp.int32, (BT, BT), 1)
    tl = (rj < ri).astype(jnp.float32)
    ones_e = jnp.ones((1, NE), jnp.float32)
    run = jnp.zeros((1, NE), jnp.float32)
    pos_full = []
    for b in range(NB):
        blk = oh[b * BT:(b + 1) * BT]
        rank = lax.dot_general(tl, blk, (((1,), (0,)), ((), ())),
                               preferred_element_type=jnp.float32) + run
        val = starts + rank
        v_hi = jnp.floor(val * (1.0 / BT))
        v_lo = val - v_hi * BT
        p_lo = lax.dot_general(ones_e, blk * v_lo, (((1,), (1,)), ((), ())),
                               preferred_element_type=jnp.float32)
        p_hi = lax.dot_general(ones_e, blk * v_hi, (((1,), (1,)), ((), ())),
                               preferred_element_type=jnp.float32)
        pos_row = p_lo + p_hi * BT
        pos_ref[b:b + 1, :] = pos_row.astype(jnp.int32)
        pos_full.append(jnp.sum(blk * val, axis=1, keepdims=True))
        s_row = lax.dot_general(ones_e, ex[b * BT:(b + 1) * BT],
                                (((1,), (1,)), ((), ())),
                                preferred_element_type=jnp.float32)
        prob_ref[b:b + 1, :] = 1.0 / s_row
        run = run + jnp.sum(blk, axis=0, keepdims=True)
    ends = starts + counts
    lob = jnp.floor(starts * (1.0 / BT))
    hib = jnp.floor((ends - 1.0) * (1.0 / BT))
    nonempty = counts > 0.0
    p = jnp.where(nonempty, hib - lob + 1.0, 0.0)
    q = excl_prefix(p)
    r = jnp.where(nonempty, q, 1e6)
    sv = lax.broadcasted_iota(jnp.int32, (S, 1), 0).astype(jnp.float32)
    es = jnp.sum((jnp.broadcast_to(r, (S, NE)) <= sv).astype(jnp.float32),
                 axis=1, keepdims=True) - 1.0
    se = lax.broadcasted_iota(jnp.int32, (S, NE), 1).astype(jnp.float32)
    ohb = se == es

    def pick(v):
        return jnp.sum(jnp.where(ohb, jnp.broadcast_to(v, (S, NE)), 0.0),
                       axis=1, keepdims=True)

    qs, ps_, lobs, sts, ens = (pick(q), pick(p), pick(lob), pick(starts),
                               pick(ends))
    j = sv - qs
    valid = j < ps_
    bs = jnp.where(valid, lobs + j, float(NB - 1))
    los = jnp.where(valid, jnp.maximum(sts, bs * BT), 0.0)
    his = jnp.where(valid, jnp.minimum(ens, (bs + 1.0) * BT), 0.0)
    meta = jnp.concatenate([bs, es, los, his], axis=1)
    meta_ref[...] = meta.astype(jnp.int32)
    pos_all = jnp.concatenate(pos_full, axis=0)
    tvec = lax.broadcasted_iota(jnp.int32, (NTOK, 1), 0)
    tsplit = jnp.concatenate(
        [(tvec % BT).astype(jnp.float32), (tvec // BT).astype(jnp.float32)],
        axis=1)
    srow = lax.broadcasted_iota(jnp.int32, (1, BT), 1).astype(jnp.float32)
    for sb in range(NB):
        cmp = (pos_all == (srow + sb * BT)).astype(jnp.float32)
        iv = lax.dot_general(tsplit, cmp, (((0,), (0,)), ((), ())),
                             preferred_element_type=jnp.float32)
        inv_row = iv[0:1, :] + iv[1:2, :] * BT
        inv_ref[sb:sb + 1, :] = inv_row.astype(jnp.int32)


def _gate(x, gate_w, gate_b):
    return pl.pallas_call(
        _gate_body,
        out_shape=[
            jax.ShapeDtypeStruct((NB, BT), jnp.int32),
            jax.ShapeDtypeStruct((NB, BT), jnp.float32),
            jax.ShapeDtypeStruct((S, 4), jnp.int32),
            jax.ShapeDtypeStruct((NB, BT), jnp.int32),
        ],
    )(x, gate_w, gate_b.reshape(1, NE))



def _sc_mesh():
    return plsc.VectorSubcoreMesh(core_axis_name="c", subcore_axis_name="s",
                                  num_cores=NC, num_subcores=NS)


def _dispatch_body(x_hbm, inv_hbm, prob_hbm, xs_hbm, ps_hbm,
                   inv_v, pstage, xrows_v, sem_a, sem_b):
    wid = lax.axis_index("s") * NC + lax.axis_index("c")
    base = wid * TPW
    pltpu.sync_copy(inv_hbm.at[pl.ds(base, TPW)], inv_v)
    c1 = pltpu.async_copy(x_hbm.at[inv_v], xrows_v, sem_a)
    c2 = pltpu.async_copy(prob_hbm.at[inv_v], pstage, sem_b)
    c1.wait()
    c2.wait()
    c3 = pltpu.async_copy(xrows_v, xs_hbm.at[pl.ds(base, TPW)], sem_a)
    c4 = pltpu.async_copy(pstage, ps_hbm.at[pl.ds(base, TPW)], sem_b)
    c3.wait()
    c4.wait()


def _dispatch(x, inv, prob):
    f = pl.kernel(
        _dispatch_body,
        out_type=(
            jax.ShapeDtypeStruct((NTP, D), jnp.float32),
            jax.ShapeDtypeStruct((NTP,), jnp.float32),
        ),
        mesh=_sc_mesh(),
        scratch_types=[
            pltpu.VMEM((TPW,), jnp.int32),
            pltpu.VMEM((TPW,), jnp.float32),
            pltpu.VMEM((TPW, D), jnp.float32),
            pltpu.SemaphoreType.DMA,
            pltpu.SemaphoreType.DMA,
        ],
    )
    return f(x, inv, prob)



def _mm_body(meta_ref, xs_ref, w_ref, b_ref, ps_ref, y_ref):
    s = pl.program_id(0)
    b = meta_ref[s, 0]
    lo = meta_ref[s, 2]
    hi = meta_ref[s, 3]
    rows = b * BT + lax.broadcasted_iota(jnp.int32, (BT, 1), 0)
    mask = (rows >= lo) & (rows < hi)
    y = lax.dot_general(xs_ref[...], w_ref[0], (((1,), (1,)), ((), ())),
                        preferred_element_type=jnp.float32)
    y = (y + b_ref[0]) * ps_ref[...]
    y_ref[...] = jnp.where(mask, y, y_ref[...])


def _grouped_mm(xs, ps, expert_w, expert_b, meta):
    grid_spec = pltpu.PrefetchScalarGridSpec(
        num_scalar_prefetch=1,
        grid=(S,),
        in_specs=[
            pl.BlockSpec((BT, D), lambda s, meta: (meta[s, 0], 0)),
            pl.BlockSpec((1, D, D), lambda s, meta: (meta[s, 1], 0, 0)),
            pl.BlockSpec((1, 1, D), lambda s, meta: (meta[s, 1], 0, 0)),
            pl.BlockSpec((BT, 1), lambda s, meta: (meta[s, 0], 0)),
        ],
        out_specs=pl.BlockSpec((BT, D), lambda s, meta: (meta[s, 0], 0)),
    )
    return pl.pallas_call(
        _mm_body,
        grid_spec=grid_spec,
        out_shape=jax.ShapeDtypeStruct((NTP, D), jnp.float32),
    )(meta, xs, expert_w, expert_b.reshape(NE, 1, D), ps.reshape(NTP, 1))



def _combine_body(y_hbm, pos_hbm, out_hbm, pos_v, rows_v, sem_a):
    wid = lax.axis_index("s") * NC + lax.axis_index("c")
    base = wid * TPW
    pltpu.sync_copy(pos_hbm.at[pl.ds(base, TPW)], pos_v)
    pltpu.async_copy(y_hbm.at[pos_v], rows_v, sem_a).wait()
    pltpu.sync_copy(rows_v, out_hbm.at[pl.ds(base, TPW)])


def _combine(y, pos):
    f = pl.kernel(
        _combine_body,
        out_type=jax.ShapeDtypeStruct((NTOK, D), jnp.float32),
        mesh=_sc_mesh(),
        scratch_types=[
            pltpu.VMEM((TPW,), jnp.int32),
            pltpu.VMEM((TPW, D), jnp.float32),
            pltpu.SemaphoreType.DMA,
        ],
    )
    return f(y, pos)



def kernel(x, gate_w, gate_b, expert_w, expert_b):
    pos2, prob2, meta, inv2 = _gate(x, gate_w, gate_b)
    xs, ps = _dispatch(x, inv2.reshape(NTOK), prob2.reshape(NTOK))
    y = _grouped_mm(xs, ps, expert_w, expert_b, meta)
    return _combine(y, pos2.reshape(NTOK))

# --- scband reference (transcript-rebuilt; emitter-appended) ---
"""Pipeline reference for scband-mo-elayer-14525579395103 (READ-ONLY COPY).

The authoritative reference and input builder live on the scoring server;
editing this copy changes nothing except your own understanding.
"""

import jax, jax.numpy as jnp
import numpy as np

NUM_EXPERTS = 64
TOP_K = 1
D_IN = 768
D_OUT = 768
N_TOK = 2048


def setup_inputs(seed: int = 0) -> dict:
    key = jax.random.key(seed)
    ks = jax.random.split(key, 5)
    x = jax.random.normal(ks[0], (N_TOK, D_IN), dtype=jnp.float32)
    lim = 1.0 / np.sqrt(D_IN)
    gate_w = jax.random.uniform(ks[1], (NUM_EXPERTS, D_IN), minval=-lim, maxval=lim, dtype=jnp.float32)
    gate_b = jax.random.uniform(ks[2], (NUM_EXPERTS,), minval=-lim, maxval=lim, dtype=jnp.float32)
    expert_w = jax.random.uniform(ks[3], (NUM_EXPERTS, D_OUT, D_IN), minval=-lim, maxval=lim, dtype=jnp.float32)
    expert_b = jax.random.uniform(ks[4], (NUM_EXPERTS, D_OUT), minval=-lim, maxval=lim, dtype=jnp.float32)
    return {"x": x, "gate_w": gate_w, "gate_b": gate_b, "expert_w": expert_w, "expert_b": expert_b}


def reference(x, gate_w, gate_b, expert_w, expert_b):
    # gate: Linear(input_dim, num_experts)
    gate_scores = x @ gate_w.T + gate_b
    gate_probs = jax.nn.softmax(gate_scores, axis=1)
    topk_vals, topk_idx = jax.lax.top_k(gate_probs, TOP_K)
    output = jnp.zeros((x.shape[0], expert_w.shape[1]), dtype=x.dtype)
    for i in range(NUM_EXPERTS):
        # mask[t] True if expert i is among token t's top-k experts
        mask = jnp.any(topk_idx == i, axis=1)
        expert_out = x @ expert_w[i].T + expert_b[i]
        w = gate_probs[:, i][:, None]
        output = output + jnp.where(mask[:, None], expert_out * w, 0.0)
    return output

if __name__ == "__main__":
    import jax
    _d = setup_inputs()
    print(jax.jit(kernel)(*tuple(_d.values())))

</pallas_src>

<mosaic_0001>
#map = affine_map<(d0, d1) -> (0, 0)>
#map1 = affine_map<(d0, d1) -> (0)>
module attributes {stable_mosaic.version = 14 : i64} {
  func.func @_dispatch_body(%arg0: i32, %arg1: i32, %arg2: memref<2048x768xf32, #tpu.memory_space<hbm>>, %arg3: memref<2048xi32, #tpu.memory_space<hbm>>, %arg4: memref<2048xf32, #tpu.memory_space<hbm>>, %arg5: memref<2176x768xf32, #tpu.memory_space<hbm>>, %arg6: memref<2176xf32, #tpu.memory_space<hbm>>, %arg7: memref<64xi32, #tpu.memory_space<vmem>>, %arg8: memref<64xf32, #tpu.memory_space<vmem>>, %arg9: memref<64x768xf32, #tpu.memory_space<vmem>>, %arg10: memref<!tpu.dma_semaphore, #tpu.memory_space<semaphore_mem>>, %arg11: memref<!tpu.dma_semaphore, #tpu.memory_space<semaphore_mem>>) attributes {dimension_semantics = [#tpu.dimension_semantics<core_parallel>, #tpu.dimension_semantics<subcore_parallel>], iteration_bounds = array<i64: 2, 16>, scalar_prefetch = 0 : i64, scratch_operands = 5 : i64, tpu.core_type = #tpu.core_type<sc_vector_subcore>, window_params = [{transform_indices = #map}, {transform_indices = #map1}, {transform_indices = #map1}, {transform_indices = #map}, {transform_indices = #map1}]} {
    %mul3A = arith.constant 2 : i32
    %mul3A_0 = arith.muli %arg1, %mul3A : i32
    %add3A = arith.addi %mul3A_0, %arg0 : i32
    %mul3A_1 = arith.constant 64 : i32
    %mul3A_2 = arith.muli %add3A, %mul3A_1 : i32
    "tpu.region"() ({
      %run_scoped3A = tpu.sem_alloc : memref<!tpu.dma_semaphore, #tpu.memory_space<semaphore_mem>>
      %dma_start3A_23 = tpu.memref_slice %arg3[%mul3A_2] : memref<2048xi32, #tpu.memory_space<hbm>> -> memref<64xi32, #tpu.memory_space<hbm>>
      %dma_start3A_24 = tpu.memref_slice %arg3[%mul3A_2] : memref<2048xi32, #tpu.memory_space<hbm>> -> memref<64xi32, #tpu.memory_space<hbm>>
      tpu.enqueue_dma source(%dma_start3A_24 : memref<64xi32, #tpu.memory_space<hbm>>) target(%arg7 : memref<64xi32, #tpu.memory_space<vmem>>) target_semaphore(%run_scoped3A : memref<!tpu.dma_semaphore, #tpu.memory_space<semaphore_mem>>)
      %dma_wait3A_25 = tpu.memref_slice %arg3[%mul3A_2] : memref<2048xi32, #tpu.memory_space<hbm>> -> memref<64xi32, #tpu.memory_space<hbm>>
      %dma_wait3A_26 = tpu.memref_slice %arg3[%mul3A_2] : memref<2048xi32, #tpu.memory_space<hbm>> -> memref<64xi32, #tpu.memory_space<hbm>>
      tpu.wait_dma2 semaphore(%run_scoped3A : memref<!tpu.dma_semaphore, #tpu.memory_space<semaphore_mem>>) src(%dma_wait3A_26 : memref<64xi32, #tpu.memory_space<hbm>>) dst(%arg7 : memref<64xi32, #tpu.memory_space<vmem>>)
      tpu.yield
    }) : () -> ()
    %dma_start3A = arith.constant 0 : i32
    %dma_start3A_3 = arith.constant 0 : i32
    %dma_start3A_4 = tpu.memref_slice %arg2[%dma_start3A, %dma_start3A_3] : memref<2048x768xf32, #tpu.memory_space<hbm>> -> memref<2048x768xf32, #tpu.memory_space<hbm>>
    tpu.enqueue_indirect_dma source(%dma_start3A_4 : memref<2048x768xf32, #tpu.memory_space<hbm>>) target(%arg9 : memref<64x768xf32, #tpu.memory_space<vmem>>) offsets(%arg7 : memref<64xi32, #tpu.memory_space<vmem>>) semaphore(%arg10 : memref<!tpu.dma_semaphore, #tpu.memory_space<semaphore_mem>>)
    %dma_start3A_5 = arith.constant 0 : i32
    %dma_start3A_6 = tpu.memref_slice %arg4[%dma_start3A_5] : memref<2048xf32, #tpu.memory_space<hbm>> -> memref<2048xf32, #tpu.memory_space<hbm>>
    tpu.enqueue_indirect_dma source(%dma_start3A_6 : memref<2048xf32, #tpu.memory_space<hbm>>) target(%arg8 : memref<64xf32, #tpu.memory_space<vmem>>) offsets(%arg7 : memref<64xi32, #tpu.memory_space<vmem>>) semaphore(%arg11 : memref<!tpu.dma_semaphore, #tpu.memory_space<semaphore_mem>>)
    %dma_wait3A = arith.constant 0 : i32
    %dma_wait3A_7 = arith.constant 0 : i32
    %dma_wait3A_8 = tpu.memref_slice %arg2[%dma_wait3A, %dma_wait3A_7] : memref<2048x768xf32, #tpu.memory_space<hbm>> -> memref<2048x768xf32, #tpu.memory_space<hbm>>
    tpu.wait_indirect_dma semaphore(%arg10 : memref<!tpu.dma_semaphore, #tpu.memory_space<semaphore_mem>>) src(%dma_wait3A_8 : memref<2048x768xf32, #tpu.memory_space<hbm>>) dst(%arg9 : memref<64x768xf32, #tpu.memory_space<vmem>>)
    %dma_wait3A_9 = arith.constant 0 : i32
    %dma_wait3A_10 = tpu.memref_slice %arg4[%dma_wait3A_9] : memref<2048xf32, #tpu.memory_space<hbm>> -> memref<2048xf32, #tpu.memory_space<hbm>>
    tpu.wait_indirect_dma semaphore(%arg11 : memref<!tpu.dma_semaphore, #tpu.memory_space<semaphore_mem>>) src(%dma_wait3A_10 : memref<2048xf32, #tpu.memory_space<hbm>>) dst(%arg8 : memref<64xf32, #tpu.memory_space<vmem>>)
    %dma_start3A_11 = arith.constant 0 : i32
    %dma_start3A_12 = tpu.memref_slice %arg5[%mul3A_2, %dma_start3A_11] : memref<2176x768xf32, #tpu.memory_space<hbm>> -> memref<64x768xf32, #tpu.memory_space<hbm>>
    %dma_start3A_13 = arith.constant 0 : i32
    %dma_start3A_14 = tpu.memref_slice %arg5[%mul3A_2, %dma_start3A_13] : memref<2176x768xf32, #tpu.memory_space<hbm>> -> memref<64x768xf32, #tpu.memory_space<hbm>>
    tpu.enqueue_dma source(%arg9 : memref<64x768xf32, #tpu.memory_space<vmem>>) target(%dma_start3A_14 : memref<64x768xf32, #tpu.memory_space<hbm>>) target_semaphore(%arg10 : memref<!tpu.dma_semaphore, #tpu.memory_space<semaphore_mem>>)
    %dma_start3A_15 = tpu.memref_slice %arg6[%mul3A_2] : memref<2176xf32, #tpu.memory_space<hbm>> -> memref<64xf32, #tpu.memory_space<hbm>>
    %dma_start3A_16 = tpu.memref_slice %arg6[%mul3A_2] : memref<2176xf32, #tpu.memory_space<hbm>> -> memref<64xf32, #tpu.memory_space<hbm>>
    tpu.enqueue_dma source(%arg8 : memref<64xf32, #tpu.memory_space<vmem>>) target(%dma_start3A_16 : memref<64xf32, #tpu.memory_space<hbm>>) target_semaphore(%arg11 : memref<!tpu.dma_semaphore, #tpu.memory_space<semaphore_mem>>)
    %dma_wait3A_17 = arith.constant 0 : i32
    %dma_wait3A_18 = tpu.memref_slice %arg5[%mul3A_2, %dma_wait3A_17] : memref<2176x768xf32, #tpu.memory_space<hbm>> -> memref<64x768xf32, #tpu.memory_space<hbm>>
    %dma_wait3A_19 = arith.constant 0 : i32
    %dma_wait3A_20 = tpu.memref_slice %arg5[%mul3A_2, %dma_wait3A_19] : memref<2176x768xf32, #tpu.memory_space<hbm>> -> memref<64x768xf32, #tpu.memory_space<hbm>>
    tpu.wait_dma2 semaphore(%arg10 : memref<!tpu.dma_semaphore, #tpu.memory_space<semaphore_mem>>) src(%arg9 : memref<64x768xf32, #tpu.memory_space<vmem>>) dst(%dma_wait3A_20 : memref<64x768xf32, #tpu.memory_space<hbm>>)
    %dma_wait3A_21 = tpu.memref_slice %arg6[%mul3A_2] : memref<2176xf32, #tpu.memory_space<hbm>> -> memref<64xf32, #tpu.memory_space<hbm>>
    %dma_wait3A_22 = tpu.memref_slice %arg6[%mul3A_2] : memref<2176xf32, #tpu.memory_space<hbm>> -> memref<64xf32, #tpu.memory_space<hbm>>
    tpu.wait_dma2 semaphore(%arg11 : memref<!tpu.dma_semaphore, #tpu.memory_space<semaphore_mem>>) src(%arg8 : memref<64xf32, #tpu.memory_space<vmem>>) dst(%dma_wait3A_22 : memref<64xf32, #tpu.memory_space<hbm>>)
    return
  }
}

#map = affine_map<(d0, d1) -> (0, 0)>
#map1 = affine_map<(d0, d1) -> (0)>
module attributes {stable_mosaic.version = 14 : i64} {
  func.func @_combine_body(%arg0: i32, %arg1: i32, %arg2: memref<2176x768xf32, #tpu.memory_space<hbm>>, %arg3: memref<2048xi32, #tpu.memory_space<hbm>>, %arg4: memref<2048x768xf32, #tpu.memory_space<hbm>>, %arg5: memref<64xi32, #tpu.memory_space<vmem>>, %arg6: memref<64x768xf32, #tpu.memory_space<vmem>>, %arg7: memref<!tpu.dma_semaphore, #tpu.memory_space<semaphore_mem>>) attributes {dimension_semantics = [#tpu.dimension_semantics<core_parallel>, #tpu.dimension_semantics<subcore_parallel>], iteration_bounds = array<i64: 2, 16>, scalar_prefetch = 0 : i64, scratch_operands = 3 : i64, tpu.core_type = #tpu.core_type<sc_vector_subcore>, window_params = [{transform_indices = #map}, {transform_indices = #map1}, {transform_indices = #map}]} {
    %mul3A = arith.constant 2 : i32
    %mul3A_0 = arith.muli %arg1, %mul3A : i32
    %add3A = arith.addi %mul3A_0, %arg0 : i32
    %mul3A_1 = arith.constant 64 : i32
    %mul3A_2 = arith.muli %add3A, %mul3A_1 : i32
    "tpu.region"() ({
      %run_scoped3A = tpu.sem_alloc : memref<!tpu.dma_semaphore, #tpu.memory_space<semaphore_mem>>
      %dma_start3A_7 = tpu.memref_slice %arg3[%mul3A_2] : memref<2048xi32, #tpu.memory_space<hbm>> -> memref<64xi32, #tpu.memory_space<hbm>>
      %dma_start3A_8 = tpu.memref_slice %arg3[%mul3A_2] : memref<2048xi32, #tpu.memory_space<hbm>> -> memref<64xi32, #tpu.memory_space<hbm>>
      tpu.enqueue_dma source(%dma_start3A_8 : memref<64xi32, #tpu.memory_space<hbm>>) target(%arg5 : memref<64xi32, #tpu.memory_space<vmem>>) target_semaphore(%run_scoped3A : memref<!tpu.dma_semaphore, #tpu.memory_space<semaphore_mem>>)
      %dma_wait3A_9 = tpu.memref_slice %arg3[%mul3A_2] : memref<2048xi32, #tpu.memory_space<hbm>> -> memref<64xi32, #tpu.memory_space<hbm>>
      %dma_wait3A_10 = tpu.memref_slice %arg3[%mul3A_2] : memref<2048xi32, #tpu.memory_space<hbm>> -> memref<64xi32, #tpu.memory_space<hbm>>
      tpu.wait_dma2 semaphore(%run_scoped3A : memref<!tpu.dma_semaphore, #tpu.memory_space<semaphore_mem>>) src(%dma_wait3A_10 : memref<64xi32, #tpu.memory_space<hbm>>) dst(%arg5 : memref<64xi32, #tpu.memory_space<vmem>>)
      tpu.yield
    }) : () -> ()
    %dma_start3A = arith.constant 0 : i32
    %dma_start3A_3 = arith.constant 0 : i32
    %dma_start3A_4 = tpu.memref_slice %arg2[%dma_start3A, %dma_start3A_3] : memref<2176x768xf32, #tpu.memory_space<hbm>> -> memref<2176x768xf32, #tpu.memory_space<hbm>>
    tpu.enqueue_indirect_dma source(%dma_start3A_4 : memref<2176x768xf32, #tpu.memory_space<hbm>>) target(%arg6 : memref<64x768xf32, #tpu.memory_space<vmem>>) offsets(%arg5 : memref<64xi32, #tpu.memory_space<vmem>>) semaphore(%arg7 : memref<!tpu.dma_semaphore, #tpu.memory_space<semaphore_mem>>)
    %dma_wait3A = arith.constant 0 : i32
    %dma_wait3A_5 = arith.constant 0 : i32
    %dma_wait3A_6 = tpu.memref_slice %arg2[%dma_wait3A, %dma_wait3A_5] : memref<2176x768xf32, #tpu.memory_space<hbm>> -> memref<2176x768xf32, #tpu.memory_space<hbm>>
    tpu.wait_indirect_dma semaphore(%arg7 : memref<!tpu.dma_semaphore, #tpu.memory_space<semaphore_mem>>) src(%dma_wait3A_6 : memref<2176x768xf32, #tpu.memory_space<hbm>>) dst(%arg6 : memref<64x768xf32, #tpu.memory_space<vmem>>)
    "tpu.region"() ({
      %run_scoped3A = tpu.sem_alloc : memref<!tpu.dma_semaphore, #tpu.memory_space<semaphore_mem>>
      %dma_start3A_7 = arith.constant 0 : i32
      %dma_start3A_8 = tpu.memref_slice %arg4[%mul3A_2, %dma_start3A_7] : memref<2048x768xf32, #tpu.memory_space<hbm>> -> memref<64x768xf32, #tpu.memory_space<hbm>>
      %dma_start3A_9 = arith.constant 0 : i32
      %dma_start3A_10 = tpu.memref_slice %arg4[%mul3A_2, %dma_start3A_9] : memref<2048x768xf32, #tpu.memory_space<hbm>> -> memref<64x768xf32, #tpu.memory_space<hbm>>
      tpu.enqueue_dma source(%arg6 : memref<64x768xf32, #tpu.memory_space<vmem>>) target(%dma_start3A_10 : memref<64x768xf32, #tpu.memory_space<hbm>>) target_semaphore(%run_scoped3A : memref<!tpu.dma_semaphore, #tpu.memory_space<semaphore_mem>>)
      %dma_wait3A_11 = arith.constant 0 : i32
      %dma_wait3A_12 = tpu.memref_slice %arg4[%mul3A_2, %dma_wait3A_11] : memref<2048x768xf32, #tpu.memory_space<hbm>> -> memref<64x768xf32, #tpu.memory_space<hbm>>
      %dma_wait3A_13 = arith.constant 0 : i32
      %dma_wait3A_14 = tpu.memref_slice %arg4[%mul3A_2, %dma_wait3A_13] : memref<2048x768xf32, #tpu.memory_space<hbm>> -> memref<64x768xf32, #tpu.memory_space<hbm>>
      tpu.wait_dma2 semaphore(%run_scoped3A : memref<!tpu.dma_semaphore, #tpu.memory_space<semaphore_mem>>) src(%arg6 : memref<64x768xf32, #tpu.memory_space<vmem>>) dst(%dma_wait3A_14 : memref<64x768xf32, #tpu.memory_space<hbm>>)
      tpu.yield
    }) : () -> ()
    return
  }
}

module attributes {stable_mosaic.version = 14 : i64} {
  func.func @_mm_body(%arg0: i32, %arg1: memref<80x4xi32, #tpu.memory_space<smem>>, %arg2: memref<128x768xf32, #tpu.memory_space<vmem>>, %arg3: memref<1x768x768xf32, #tpu.memory_space<vmem>>, %arg4: memref<1x1x768xf32, #tpu.memory_space<vmem>>, %arg5: memref<128x1xf32, #tpu.memory_space<vmem>>, %arg6: memref<128x768xf32, #tpu.memory_space<vmem>>) attributes {dimension_semantics = [#tpu.dimension_semantics<arbitrary>], iteration_bounds = array<i64: 80>, scalar_prefetch = 1 : i64, scratch_operands = 0 : i64, tpu.core_type = #tpu.core_type<tc>, window_params = [{transform_indices = @transform_0, window_bounds = array<i64: 128, 768>}, {transform_indices = @transform_1, window_bounds = array<i64: 1, 768, 768>}, {transform_indices = @transform_2, window_bounds = array<i64: 1, 1, 768>}, {transform_indices = @transform_3, window_bounds = array<i64: 128, 1>}, {transform_indices = @transform_4, window_bounds = array<i64: 128, 768>}]} {
    %get3A = arith.index_cast %arg0 : i32 to index
    %get3A_0 = arith.constant 0 : index
    %get3A_1 = memref.load %arg1[%get3A, %get3A_0] : memref<80x4xi32, #tpu.memory_space<smem>>
    %get3A_2 = arith.index_cast %arg0 : i32 to index
    %get3A_3 = arith.constant 2 : index
    %get3A_4 = memref.load %arg1[%get3A_2, %get3A_3] : memref<80x4xi32, #tpu.memory_space<smem>>
    %get3A_5 = arith.index_cast %arg0 : i32 to index
    %get3A_6 = arith.constant 3 : index
    %get3A_7 = memref.load %arg1[%get3A_5, %get3A_6] : memref<80x4xi32, #tpu.memory_space<smem>>
    %mul3A = arith.constant 128 : i32
    %mul3A_8 = arith.muli %get3A_1, %mul3A : i32
    %iota3A = tpu.iota {dimensions = array<i32: 0>} : vector<128x1xi32>
    %add3A = vector.broadcast %mul3A_8 : i32 to vector<128x1xi32>
    %add3A_9 = arith.addi %add3A, %iota3A : vector<128x1xi32>
    %ge3A = vector.broadcast %get3A_4 : i32 to vector<128x1xi32>
    %ge3A_10 = arith.cmpi sge, %add3A_9, %ge3A : vector<128x1xi32>
    %lt3A = vector.broadcast %get3A_7 : i32 to vector<128x1xi32>
    %lt3A_11 = arith.cmpi slt, %add3A_9, %lt3A : vector<128x1xi32>
    %and3A = arith.andi %ge3A_10, %lt3A_11 : vector<128x1xi1>
    %get3A_12 = arith.constant 0 : index
    %get3A_13 = arith.constant 0 : index
    %get3A_14 = vector.load %arg2[%get3A_12, %get3A_13] : memref<128x768xf32, #tpu.memory_space<vmem>>, vector<128x768xf32>
    %get3A_15 = arith.constant 0 : index
    %get3A_16 = arith.constant 0 : index
    %get3A_17 = arith.constant 0 : index
    %get3A_18 = vector.load %arg3[%get3A_15, %get3A_16, %get3A_17] : memref<1x768x768xf32, #tpu.memory_space<vmem>>, vector<1x768x768xf32>
    %get3A_19 = vector.shape_cast %get3A_18 : vector<1x768x768xf32> to vector<768x768xf32>
    %dot_general3A = arith.constant dense<0.000000e+00> : vector<128x768xf32>
    %dot_general3A_20 = tpu.matmul %get3A_14, %get3A_19, %dot_general3A {dimension_numbers = #tpu.dot_dimension_numbers<[1], [1], [0], [0], [0, 0, 1, 0], [], []>, transpose_lhs_hint = false} : vector<128x768xf32>, vector<768x768xf32>, vector<128x768xf32> -> vector<128x768xf32>
    %get3A_21 = arith.constant 0 : index
    %get3A_22 = arith.constant 0 : index
    %get3A_23 = arith.constant 0 : index
    %get3A_24 = vector.load %arg4[%get3A_21, %get3A_22, %get3A_23] : memref<1x1x768xf32, #tpu.memory_space<vmem>>, vector<1x1x768xf32>
    %get3A_25 = vector.shape_cast %get3A_24 : vector<1x1x768xf32> to vector<1x768xf32>
    %add3A_26 = vector.broadcast %get3A_25 : vector<1x768xf32> to vector<128x768xf32>
    %add3A_27 = arith.addf %dot_general3A_20, %add3A_26 : vector<128x768xf32>
    %get3A_28 = arith.constant 0 : index
    %get3A_29 = arith.constant 0 : index
    %get3A_30 = vector.load %arg5[%get3A_28, %get3A_29] : memref<128x1xf32, #tpu.memory_space<vmem>>, vector<128x1xf32>
    %mul3A_31 = vector.broadcast %get3A_30 : vector<128x1xf32> to vector<128x768xf32>
    %mul3A_32 = arith.mulf %add3A_27, %mul3A_31 : vector<128x768xf32>
    %get3A_33 = arith.constant 0 : index
    %get3A_34 = arith.constant 0 : index
    %get3A_35 = vector.load %arg6[%get3A_33, %get3A_34] : memref<128x768xf32, #tpu.memory_space<vmem>>, vector<128x768xf32>
    %broadcast_in_dim3A = vector.shape_cast %and3A : vector<128x1xi1> to vector<128x1xi1>
    %broadcast_in_dim3A_36 = vector.broadcast %broadcast_in_dim3A : vector<128x1xi1> to vector<128x768xi1>
    %select_n3A = arith.select %broadcast_in_dim3A_36, %mul3A_32, %get3A_35 : vector<128x768xi1>, vector<128x768xf32>
    %swap3A = arith.constant 0 : index
    %swap3A_37 = arith.constant 0 : index
    %swap3A_38 = vector.load %arg6[%swap3A, %swap3A_37] : memref<128x768xf32, #tpu.memory_space<vmem>>, vector<128x768xf32>
    tpu.vector_store %arg6[%swap3A, %swap3A_37], %select_n3A {strides = array<i32>} : memref<128x768xf32, #tpu.memory_space<vmem>>, vector<128x768xf32>,
    return
  }
  func.func @transform_0(%arg0: i32, %arg1: memref<80x4xi32, #tpu.memory_space<smem>>) -> (i32, i32) {
    %get3A = arith.index_cast %arg0 : i32 to index
    %get3A_0 = arith.constant 0 : index
    %get3A_1 = memref.load %arg1[%get3A, %get3A_0] : memref<80x4xi32, #tpu.memory_space<smem>>
    %c0_i32 = arith.constant 0 : i32
    %c0_i32_2 = arith.constant 0 : i32
    return %get3A_1, %c0_i32 : i32, i32
  }
  func.func @transform_1(%arg0: i32, %arg1: memref<80x4xi32, #tpu.memory_space<smem>>) -> (i32, i32, i32) {
    %get3A = arith.index_cast %arg0 : i32 to index
    %get3A_0 = arith.constant 1 : index
    %get3A_1 = memref.load %arg1[%get3A, %get3A_0] : memref<80x4xi32, #tpu.memory_space<smem>>
    %c0_i32 = arith.constant 0 : i32
    %c0_i32_2 = arith.constant 0 : i32
    %c0_i32_3 = arith.constant 0 : i32
    return %get3A_1, %c0_i32, %c0_i32_2 : i32, i32, i32
  }
  func.func @transform_2(%arg0: i32, %arg1: memref<80x4xi32, #tpu.memory_space<smem>>) -> (i32, i32, i32) {
    %get3A = arith.index_cast %arg0 : i32 to index
    %get3A_0 = arith.constant 1 : index
    %get3A_1 = memref.load %arg1[%get3A, %get3A_0] : memref<80x4xi32, #tpu.memory_space<smem>>
    %c0_i32 = arith.constant 0 : i32
    %c0_i32_2 = arith.constant 0 : i32
    %c0_i32_3 = arith.constant 0 : i32
    return %get3A_1, %c0_i32, %c0_i32_2 : i32, i32, i32
  }
  func.func @transform_3(%arg0: i32, %arg1: memref<80x4xi32, #tpu.memory_space<smem>>) -> (i32, i32) {
    %get3A = arith.index_cast %arg0 : i32 to index
    %get3A_0 = arith.constant 0 : index
    %get3A_1 = memref.load %arg1[%get3A, %get3A_0] : memref<80x4xi32, #tpu.memory_space<smem>>
    %c0_i32 = arith.constant 0 : i32
    %c0_i32_2 = arith.constant 0 : i32
    return %get3A_1, %c0_i32 : i32, i32
  }
  func.func @transform_4(%arg0: i32, %arg1: memref<80x4xi32, #tpu.memory_space<smem>>) -> (i32, i32) {
    %get3A = arith.index_cast %arg0 : i32 to index
    %get3A_0 = arith.constant 0 : index
    %get3A_1 = memref.load %arg1[%get3A, %get3A_0] : memref<80x4xi32, #tpu.memory_space<smem>>
    %c0_i32 = arith.constant 0 : i32
    %c0_i32_2 = arith.constant 0 : i32
    return %get3A_1, %c0_i32 : i32, i32
  }
}

module attributes {stable_mosaic.version = 14 : i64} {
  func.func @_gate_body(%arg0: memref<2048x768xf32, #tpu.memory_space<vmem>>, %arg1: memref<64x768xf32, #tpu.memory_space<vmem>>, %arg2: memref<1x64xf32, #tpu.memory_space<vmem>>, %arg3: memref<16x128xi32, #tpu.memory_space<vmem>>, %arg4: memref<16x128xf32, #tpu.memory_space<vmem>>, %arg5: memref<80x4xi32, #tpu.memory_space<vmem>>, %arg6: memref<16x128xi32, #tpu.memory_space<vmem>>) attributes {dimension_semantics = [], scalar_prefetch = 0 : i64, scratch_operands = 0 : i64, tpu.core_type = #tpu.core_type<tc>} {
    %get3A = arith.constant 0 : index
    %get3A_0 = arith.constant 0 : index
    %get3A_1 = vector.load %arg0[%get3A, %get3A_0] : memref<2048x768xf32, #tpu.memory_space<vmem>>, vector<2048x768xf32>
    %get3A_2 = arith.constant 0 : index
    %get3A_3 = arith.constant 0 : index
    %get3A_4 = vector.load %arg1[%get3A_2, %get3A_3] : memref<64x768xf32, #tpu.memory_space<vmem>>, vector<64x768xf32>
    %dot_general3A = arith.constant dense<0.000000e+00> : vector<2048x64xf32>
    %dot_general3A_5 = tpu.matmul %get3A_1, %get3A_4, %dot_general3A {dimension_numbers = #tpu.dot_dimension_numbers<[1], [1], [0], [0], [0, 0, 1, 0], [], []>, transpose_lhs_hint = false} : vector<2048x768xf32>, vector<64x768xf32>, vector<2048x64xf32> -> vector<2048x64xf32>
    %get3A_6 = arith.constant 0 : index
    %get3A_7 = arith.constant 0 : index
    %get3A_8 = vector.load %arg2[%get3A_6, %get3A_7] : memref<1x64xf32, #tpu.memory_space<vmem>>, vector<1x64xf32>
    %add3A = vector.broadcast %get3A_8 : vector<1x64xf32> to vector<2048x64xf32>
    %add3A_9 = arith.addf %dot_general3A_5, %add3A : vector<2048x64xf32>
    %reduce_max3A = arith.constant dense<0xFF800000> : vector<2048xf32>
    %reduce_max3A_10 = vector.multi_reduction <maximumf>, %add3A_9, %reduce_max3A [1] : vector<2048x64xf32> to vector<2048xf32>
    %broadcast_in_dim3A = vector.shape_cast %reduce_max3A_10 : vector<2048xf32> to vector<2048x1xf32>
    %sub3A = vector.broadcast %broadcast_in_dim3A : vector<2048x1xf32> to vector<2048x64xf32>
    %sub3A_11 = arith.subf %add3A_9, %sub3A : vector<2048x64xf32>
    %exp3A = math.exp %sub3A_11 : vector<2048x64xf32>
    %iota3A = tpu.iota {dimensions = array<i32: 1>} : vector<2048x64xi32>
    %eq3A = vector.broadcast %broadcast_in_dim3A : vector<2048x1xf32> to vector<2048x64xf32>
    %eq3A_12 = arith.cmpf oeq, %add3A_9, %eq3A : vector<2048x64xf32>
    %jit3A = arith.constant 64 : i32
    %broadcast_in_dim3A_13 = vector.broadcast %jit3A : i32 to vector<2048x64xi32>
    %select_n3A = arith.select %eq3A_12, %iota3A, %broadcast_in_dim3A_13 : vector<2048x64xi1>, vector<2048x64xi32>
    %reduce_min3A = arith.constant dense<2147483647> : vector<2048xi32>
    %reduce_min3A_14 = vector.multi_reduction <minsi>, %select_n3A, %reduce_min3A [1] : vector<2048x64xi32> to vector<2048xi32>
    %broadcast_in_dim3A_15 = vector.shape_cast %reduce_min3A_14 : vector<2048xi32> to vector<2048x1xi32>
    %eq3A_16 = vector.broadcast %broadcast_in_dim3A_15 : vector<2048x1xi32> to vector<2048x64xi32>
    %eq3A_17 = arith.cmpi eq, %iota3A, %eq3A_16 : vector<2048x64xi32>
    %convert_element_type3A = arith.extui %eq3A_17 : vector<2048x64xi1> to vector<2048x64xi32>
    %convert_element_type3A_18 = arith.sitofp %convert_element_type3A : vector<2048x64xi32> to vector<2048x64xf32>
    %reduce_sum3A = arith.constant dense<0.000000e+00> : vector<64xf32>
    %reduce_sum3A_19 = vector.multi_reduction <add>, %convert_element_type3A_18, %reduce_sum3A [0] : vector<2048x64xf32> to vector<64xf32>
    %broadcast_in_dim3A_20 = vector.shape_cast %reduce_sum3A_19 : vector<64xf32> to vector<1x64xf32>
    %iota3A_21 = tpu.iota {dimensions = array<i32: 0>} : vector<64x64xi32>
    %iota3A_22 = tpu.iota {dimensions = array<i32: 1>} : vector<64x64xi32>
    %lt3A = arith.cmpi slt, %iota3A_21, %iota3A_22 : vector<64x64xi32>
    %reshape3A = vector.shape_cast %broadcast_in_dim3A_20 : vector<1x64xf32> to vector<64x1xf32>
    %broadcast_in_dim3A_23 = vector.shape_cast %reshape3A : vector<64x1xf32> to vector<64x1xf32>
    %broadcast_in_dim3A_24 = vector.broadcast %broadcast_in_dim3A_23 : vector<64x1xf32> to vector<64x64xf32>
    %jit3A_25 = arith.constant 0.000000e+00 : f32
    %broadcast_in_dim3A_26 = vector.broadcast %jit3A_25 : f32 to vector<64x64xf32>
    %select_n3A_27 = arith.select %lt3A, %broadcast_in_dim3A_24, %broadcast_in_dim3A_26 : vector<64x64xi1>, vector<64x64xf32>
    %reduce_sum3A_28 = arith.constant dense<0.000000e+00> : vector<64xf32>
    %reduce_sum3A_29 = vector.multi_reduction <add>, %select_n3A_27, %reduce_sum3A_28 [0] : vector<64x64xf32> to vector<64xf32>
    %broadcast_in_dim3A_30 = vector.shape_cast %reduce_sum3A_29 : vector<64xf32> to vector<1x64xf32>
    %iota3A_31 = tpu.iota {dimensions = array<i32: 0>} : vector<128x128xi32>
    %iota3A_32 = tpu.iota {dimensions = array<i32: 1>} : vector<128x128xi32>
    %lt3A_33 = arith.cmpi slt, %iota3A_32, %iota3A_31 : vector<128x128xi32>
    %convert_element_type3A_34 = arith.extui %lt3A_33 : vector<128x128xi1> to vector<128x128xi32>
    %convert_element_type3A_35 = arith.sitofp %convert_element_type3A_34 : vector<128x128xi32> to vector<128x128xf32>
    %broadcast_in_dim3A_36 = arith.constant 1.000000e+00 : f32
    %broadcast_in_dim3A_37 = vector.broadcast %broadcast_in_dim3A_36 : f32 to vector<1x64xf32>
    %broadcast_in_dim3A_38 = arith.constant 0.000000e+00 : f32
    %broadcast_in_dim3A_39 = vector.broadcast %broadcast_in_dim3A_38 : f32 to vector<1x64xf32>
    %slice3A = vector.extract_strided_slice %convert_element_type3A_18 {offsets = [0, 0], sizes = [128, 64], strides = [1, 1]} : vector<2048x64xf32> to vector<128x64xf32>
    %dot_general3A_40 = arith.constant dense<0.000000e+00> : vector<128x64xf32>
    %dot_general3A_41 = tpu.matmul %convert_element_type3A_35, %slice3A, %dot_general3A_40 {dimension_numbers = #tpu.dot_dimension_numbers<[1], [0], [0], [1], [0, 0, 1, 1], [], []>, transpose_lhs_hint = false} : vector<128x128xf32>, vector<128x64xf32>, vector<128x64xf32> -> vector<128x64xf32>
    %add3A_42 = vector.broadcast %broadcast_in_dim3A_39 : vector<1x64xf32> to vector<128x64xf32>
    %add3A_43 = arith.addf %dot_general3A_41, %add3A_42 : vector<128x64xf32>
    %add3A_44 = vector.broadcast %broadcast_in_dim3A_30 : vector<1x64xf32> to vector<128x64xf32>
    %add3A_45 = arith.addf %add3A_44, %add3A_43 : vector<128x64xf32>
    %mul3A = arith.constant 7.812500e-03 : f32
    %mul3A_46 = vector.broadcast %mul3A : f32 to vector<128x64xf32>
    %mul3A_47 = arith.mulf %add3A_45, %mul3A_46 : vector<128x64xf32>
    %floor3A = math.floor %mul3A_47 : vector<128x64xf32>
    %mul3A_48 = arith.constant 1.280000e+02 : f32
    %mul3A_49 = vector.broadcast %mul3A_48 : f32 to vector<128x64xf32>
    %mul3A_50 = arith.mulf %floor3A, %mul3A_49 : vector<128x64xf32>
    %sub3A_51 = arith.subf %add3A_45, %mul3A_50 : vector<128x64xf32>
    %mul3A_52 = arith.mulf %slice3A, %sub3A_51 : vector<128x64xf32>
    %dot_general3A_53 = arith.constant dense<0.000000e+00> : vector<1x128xf32>
    %dot_general3A_54 = tpu.matmul %broadcast_in_dim3A_37, %mul3A_52, %dot_general3A_53 {dimension_numbers = #tpu.dot_dimension_numbers<[1], [1], [0], [0], [0, 0, 1, 0], [], []>, transpose_lhs_hint = false} : vector<1x64xf32>, vector<128x64xf32>, vector<1x128xf32> -> vector<1x128xf32>
    %mul3A_55 = arith.mulf %slice3A, %floor3A : vector<128x64xf32>
    %dot_general3A_56 = arith.constant dense<0.000000e+00> : vector<1x128xf32>
    %dot_general3A_57 = tpu.matmul %broadcast_in_dim3A_37, %mul3A_55, %dot_general3A_56 {dimension_numbers = #tpu.dot_dimension_numbers<[1], [1], [0], [0], [0, 0, 1, 0], [], []>, transpose_lhs_hint = false} : vector<1x64xf32>, vector<128x64xf32>, vector<1x128xf32> -> vector<1x128xf32>
    %mul3A_58 = arith.constant 1.280000e+02 : f32
    %mul3A_59 = vector.broadcast %mul3A_58 : f32 to vector<1x128xf32>
    %mul3A_60 = arith.mulf %dot_general3A_57, %mul3A_59 : vector<1x128xf32>
    %add3A_61 = arith.addf %dot_general3A_54, %mul3A_60 : vector<1x128xf32>
    %convert_element_type3A_62 = arith.fptosi %add3A_61 : vector<1x128xf32> to vector<1x128xi32>
    %swap3A = arith.constant 0 : index
    %swap3A_63 = arith.constant 0 : index
    %swap3A_64 = vector.load %arg3[%swap3A, %swap3A_63] : memref<16x128xi32, #tpu.memory_space<vmem>>, vector<1x128xi32>
    tpu.vector_store %arg3[%swap3A, %swap3A_63], %convert_element_type3A_62 {strides = array<i32>} : memref<16x128xi32, #tpu.memory_space<vmem>>, vector<1x128xi32>,
    %mul3A_65 = arith.mulf %slice3A, %add3A_45 : vector<128x64xf32>
    %reduce_sum3A_66 = arith.constant dense<0.000000e+00> : vector<128xf32>
    %reduce_sum3A_67 = vector.multi_reduction <add>, %mul3A_65, %reduce_sum3A_66 [1] : vector<128x64xf32> to vector<128xf32>
    %broadcast_in_dim3A_68 = vector.shape_cast %reduce_sum3A_67 : vector<128xf32> to vector<128x1xf32>
    %slice3A_69 = vector.extract_strided_slice %exp3A {offsets = [0, 0], sizes = [128, 64], strides = [1, 1]} : vector<2048x64xf32> to vector<128x64xf32>
    %dot_general3A_70 = arith.constant dense<0.000000e+00> : vector<1x128xf32>
    %dot_general3A_71 = tpu.matmul %broadcast_in_dim3A_37, %slice3A_69, %dot_general3A_70 {dimension_numbers = #tpu.dot_dimension_numbers<[1], [1], [0], [0], [0, 0, 1, 0], [], []>, transpose_lhs_hint = false} : vector<1x64xf32>, vector<128x64xf32>, vector<1x128xf32> -> vector<1x128xf32>
    %div3A = arith.constant 1.000000e+00 : f32
    %div3A_72 = vector.broadcast %div3A : f32 to vector<1x128xf32>
    %div3A_73 = arith.divf %div3A_72, %dot_general3A_71 : vector<1x128xf32>
    %swap3A_74 = arith.constant 0 : index
    %swap3A_75 = arith.constant 0 : index
    %swap3A_76 = vector.load %arg4[%swap3A_74, %swap3A_75] : memref<16x128xf32, #tpu.memory_space<vmem>>, vector<1x128xf32>
    tpu.vector_store %arg4[%swap3A_74, %swap3A_75], %div3A_73 {strides = array<i32>} : memref<16x128xf32, #tpu.memory_space<vmem>>, vector<1x128xf32>,
    %reduce_sum3A_77 = arith.constant dense<0.000000e+00> : vector<64xf32>
    %reduce_sum3A_78 = vector.multi_reduction <add>, %slice3A, %reduce_sum3A_77 [0] : vector<128x64xf32> to vector<64xf32>
    %broadcast_in_dim3A_79 = vector.shape_cast %reduce_sum3A_78 : vector<64xf32> to vector<1x64xf32>
    %add3A_80 = arith.addf %broadcast_in_dim3A_39, %broadcast_in_dim3A_79 : vector<1x64xf32>
    %slice3A_81 = vector.extract_strided_slice %convert_element_type3A_18 {offsets = [128, 0], sizes = [128, 64], strides = [1, 1]} : vector<2048x64xf32> to vector<128x64xf32>
    %dot_general3A_82 = arith.constant dense<0.000000e+00> : vector<128x64xf32>
    %dot_general3A_83 = tpu.matmul %convert_element_type3A_35, %slice3A_81, %dot_general3A_82 {dimension_numbers = #tpu.dot_dimension_numbers<[1], [0], [0], [1], [0, 0, 1, 1], [], []>, transpose_lhs_hint = false} : vector<128x128xf32>, vector<128x64xf32>, vector<128x64xf32> -> vector<128x64xf32>
    %add3A_84 = vector.broadcast %add3A_80 : vector<1x64xf32> to vector<128x64xf32>
    %add3A_85 = arith.addf %dot_general3A_83, %add3A_84 : vector<128x64xf32>
    %add3A_86 = vector.broadcast %broadcast_in_dim3A_30 : vector<1x64xf32> to vector<128x64xf32>
    %add3A_87 = arith.addf %add3A_86, %add3A_85 : vector<128x64xf32>
    %mul3A_88 = arith.constant 7.812500e-03 : f32
    %mul3A_89 = vector.broadcast %mul3A_88 : f32 to vector<128x64xf32>
    %mul3A_90 = arith.mulf %add3A_87, %mul3A_89 : vector<128x64xf32>
    %floor3A_91 = math.floor %mul3A_90 : vector<128x64xf32>
    %mul3A_92 = arith.constant 1.280000e+02 : f32
    %mul3A_93 = vector.broadcast %mul3A_92 : f32 to vector<128x64xf32>
    %mul3A_94 = arith.mulf %floor3A_91, %mul3A_93 : vector<128x64xf32>
    %sub3A_95 = arith.subf %add3A_87, %mul3A_94 : vector<128x64xf32>
    %mul3A_96 = arith.mulf %slice3A_81, %sub3A_95 : vector<128x64xf32>
    %dot_general3A_97 = arith.constant dense<0.000000e+00> : vector<1x128xf32>
    %dot_general3A_98 = tpu.matmul %broadcast_in_dim3A_37, %mul3A_96, %dot_general3A_97 {dimension_numbers = #tpu.dot_dimension_numbers<[1], [1], [0], [0], [0, 0, 1, 0], [], []>, transpose_lhs_hint = false} : vector<1x64xf32>, vector<128x64xf32>, vector<1x128xf32> -> vector<1x128xf32>
    %mul3A_99 = arith.mulf %slice3A_81, %floor3A_91 : vector<128x64xf32>
    %dot_general3A_100 = arith.constant dense<0.000000e+00> : vector<1x128xf32>
    %dot_general3A_101 = tpu.matmul %broadcast_in_dim3A_37, %mul3A_99, %dot_general3A_100 {dimension_numbers = #tpu.dot_dimension_numbers<[1], [1], [0], [0], [0, 0, 1, 0], [], []>, transpose_lhs_hint = false} : vector<1x64xf32>, vector<128x64xf32>, vector<1x128xf32> -> vector<1x128xf32>
    %mul3A_102 = arith.constant 1.280000e+02 : f32
    %mul3A_103 = vector.broadcast %mul3A_102 : f32 to vector<1x128xf32>
    %mul3A_104 = arith.mulf %dot_general3A_101, %mul3A_103 : vector<1x128xf32>
    %add3A_105 = arith.addf %dot_general3A_98, %mul3A_104 : vector<1x128xf32>
    %convert_element_type3A_106 = arith.fptosi %add3A_105 : vector<1x128xf32> to vector<1x128xi32>
    %swap3A_107 = arith.constant 1 : index
    %swap3A_108 = arith.constant 0 : index
    %swap3A_109 = vector.load %arg3[%swap3A_107, %swap3A_108] : memref<16x128xi32, #tpu.memory_space<vmem>>, vector<1x128xi32>
    tpu.vector_store %arg3[%swap3A_107, %swap3A_108], %convert_element_type3A_106 {strides = array<i32>} : memref<16x128xi32, #tpu.memory_space<vmem>>, vector<1x128xi32>,
    %mul3A_110 = arith.mulf %slice3A_81, %add3A_87 : vector<128x64xf32>
    %reduce_sum3A_111 = arith.constant dense<0.000000e+00> : vector<128xf32>
    %reduce_sum3A_112 = vector.multi_reduction <add>, %mul3A_110, %reduce_sum3A_111 [1] : vector<128x64xf32> to vector<128xf32>
    %broadcast_in_dim3A_113 = vector.shape_cast %reduce_sum3A_112 : vector<128xf32> to vector<128x1xf32>
    %slice3A_114 = vector.extract_strided_slice %exp3A {offsets = [128, 0], sizes = [128, 64], strides = [1, 1]} : vector<2048x64xf32> to vector<128x64xf32>
    %dot_general3A_115 = arith.constant dense<0.000000e+00> : vector<1x128xf32>
    %dot_general3A_116 = tpu.matmul %broadcast_in_dim3A_37, %slice3A_114, %dot_general3A_115 {dimension_numbers = #tpu.dot_dimension_numbers<[1], [1], [0], [0], [0, 0, 1, 0], [], []>, transpose_lhs_hint = false} : vector<1x64xf32>, vector<128x64xf32>, vector<1x128xf32> -> vector<1x128xf32>
    %div3A_117 = arith.constant 1.000000e+00 : f32
    %div3A_118 = vector.broadcast %div3A_117 : f32 to vector<1x128xf32>
    %div3A_119 = arith.divf %div3A_118, %dot_general3A_116 : vector<1x128xf32>
    %swap3A_120 = arith.constant 1 : index
    %swap3A_121 = arith.constant 0 : index
    %swap3A_122 = vector.load %arg4[%swap3A_120, %swap3A_121] : memref<16x128xf32, #tpu.memory_space<vmem>>, vector<1x128xf32>
    tpu.vector_store %arg4[%swap3A_120, %swap3A_121], %div3A_119 {strides = array<i32>} : memref<16x128xf32, #tpu.memory_space<vmem>>, vector<1x128xf32>,
    %reduce_sum3A_123 = arith.constant dense<0.000000e+00> : vector<64xf32>
    %reduce_sum3A_124 = vector.multi_reduction <add>, %slice3A_81, %reduce_sum3A_123 [0] : vector<128x64xf32> to vector<64xf32>
    %broadcast_in_dim3A_125 = vector.shape_cast %reduce_sum3A_124 : vector<64xf32> to vector<1x64xf32>
    %add3A_126 = arith.addf %add3A_80, %broadcast_in_dim3A_125 : vector<1x64xf32>
    %slice3A_127 = vector.extract_strided_slice %convert_element_type3A_18 {offsets = [256, 0], sizes = [128, 64], strides = [1, 1]} : vector<2048x64xf32> to vector<128x64xf32>
    %dot_general3A_128 = arith.constant dense<0.000000e+00> : vector<128x64xf32>
    %dot_general3A_129 = tpu.matmul %convert_element_type3A_35, %slice3A_127, %dot_general3A_128 {dimension_numbers = #tpu.dot_dimension_numbers<[1], [0], [0], [1], [0, 0, 1, 1], [], []>, transpose_lhs_hint = false} : vector<128x128xf32>, vector<128x64xf32>, vector<128x64xf32> -> vector<128x64xf32>
    %add3A_130 = vector.broadcast %add3A_126 : vector<1x64xf32> to vector<128x64xf32>
    %add3A_131 = arith.addf %dot_general3A_129, %add3A_130 : vector<128x64xf32>
    %add3A_132 = vector.broadcast %broadcast_in_dim3A_30 : vector<1x64xf32> to vector<128x64xf32>
    %add3A_133 = arith.addf %add3A_132, %add3A_131 : vector<128x64xf32>
    %mul3A_134 = arith.constant 7.812500e-03 : f32
    %mul3A_135 = vector.broadcast %mul3A_134 : f32 to vector<128x64xf32>
    %mul3A_136 = arith.mulf %add3A_133, %mul3A_135 : vector<128x64xf32>
    %floor3A_137 = math.floor %mul3A_136 : vector<128x64xf32>
    %mul3A_138 = arith.constant 1.280000e+02 : f32
    %mul3A_139 = vector.broadcast %mul3A_138 : f32 to vector<128x64xf32>
    %mul3A_140 = arith.mulf %floor3A_137, %mul3A_139 : vector<128x64xf32>
    %sub3A_141 = arith.subf %add3A_133, %mul3A_140 : vector<128x64xf32>
    %mul3A_142 = arith.mulf %slice3A_127, %sub3A_141 : vector<128x64xf32>
    %dot_general3A_143 = arith.constant dense<0.000000e+00> : vector<1x128xf32>
    %dot_general3A_144 = tpu.matmul %broadcast_in_dim3A_37, %mul3A_142, %dot_general3A_143 {dimension_numbers = #tpu.dot_dimension_numbers<[1], [1], [0], [0], [0, 0, 1, 0], [], []>, transpose_lhs_hint = false} : vector<1x64xf32>, vector<128x64xf32>, vector<1x128xf32> -> vector<1x128xf32>
    %mul3A_145 = arith.mulf %slice3A_127, %floor3A_137 : vector<128x64xf32>
    %dot_general3A_146 = arith.constant dense<0.000000e+00> : vector<1x128xf32>
    %dot_general3A_147 = tpu.matmul %broadcast_in_dim3A_37, %mul3A_145, %dot_general3A_146 {dimension_numbers = #tpu.dot_dimension_numbers<[1], [1], [0], [0], [0, 0, 1, 0], [], []>, transpose_lhs_hint = false} : vector<1x64xf32>, vector<128x64xf32>, vector<1x128xf32> -> vector<1x128xf32>
    %mul3A_148 = arith.constant 1.280000e+02 : f32
    %mul3A_149 = vector.broadcast %mul3A_148 : f32 to vector<1x128xf32>
    %mul3A_150 = arith.mulf %dot_general3A_147, %mul3A_149 : vector<1x128xf32>
    %add3A_151 = arith.addf %dot_general3A_144, %mul3A_150 : vector<1x128xf32>
    %convert_element_type3A_152 = arith.fptosi %add3A_151 : vector<1x128xf32> to vector<1x128xi32>
    %swap3A_153 = arith.constant 2 : index
    %swap3A_154 = arith.constant 0 : index
    %swap3A_155 = vector.load %arg3[%swap3A_153, %swap3A_154] : memref<16x128xi32, #tpu.memory_space<vmem>>, vector<1x128xi32>
    tpu.vector_store %arg3[%swap3A_153, %swap3A_154], %convert_element_type3A_152 {strides = array<i32>} : memref<16x128xi32, #tpu.memory_space<vmem>>, vector<1x128xi32>,
    %mul3A_156 = arith.mulf %slice3A_127, %add3A_133 : vector<128x64xf32>
    %reduce_sum3A_157 = arith.constant dense<0.000000e+00> : vector<128xf32>
    %reduce_sum3A_158 = vector.multi_reduction <add>, %mul3A_156, %reduce_sum3A_157 [1] : vector<128x64xf32> to vector<128xf32>
    %broadcast_in_dim3A_159 = vector.shape_cast %reduce_sum3A_158 : vector<128xf32> to vector<128x1xf32>
    %slice3A_160 = vector.extract_strided_slice %exp3A {offsets = [256, 0], sizes = [128, 64], strides = [1, 1]} : vector<2048x64xf32> to vector<128x64xf32>
    %dot_general3A_161 = arith.constant dense<0.000000e+00> : vector<1x128xf32>
    %dot_general3A_162 = tpu.matmul %broadcast_in_dim3A_37, %slice3A_160, %dot_general3A_161 {dimension_numbers = #tpu.dot_dimension_numbers<[1], [1], [0], [0], [0, 0, 1, 0], [], []>, transpose_lhs_hint = false} : vector<1x64xf32>, vector<128x64xf32>, vector<1x128xf32> -> vector<1x128xf32>
    %div3A_163 = arith.constant 1.000000e+00 : f32
    %div3A_164 = vector.broadcast %div3A_163 : f32 to vector<1x128xf32>
    %div3A_165 = arith.divf %div3A_164, %dot_general3A_162 : vector<1x128xf32>
    %swap3A_166 = arith.constant 2 : index
    %swap3A_167 = arith.constant 0 : index
    %swap3A_168 = vector.load %arg4[%swap3A_166, %swap3A_167] : memref<16x128xf32, #tpu.memory_space<vmem>>, vector<1x128xf32>
    tpu.vector_store %arg4[%swap3A_166, %swap3A_167], %div3A_165 {strides = array<i32>} : memref<16x128xf32, #tpu.memory_space<vmem>>, vector<1x128xf32>,
    %reduce_sum3A_169 = arith.constant dense<0.000000e+00> : vector<64xf32>
    %reduce_sum3A_170 = vector.multi_reduction <add>, %slice3A_127, %reduce_sum3A_169 [0] : vector<128x64xf32> to vector<64xf32>
    %broadcast_in_dim3A_171 = vector.shape_cast %reduce_sum3A_170 : vector<64xf32> to vector<1x64xf32>
    %add3A_172 = arith.addf %add3A_126, %broadcast_in_dim3A_171 : vector<1x64xf32>
    %slice3A_173 = vector.extract_strided_slice %convert_element_type3A_18 {offsets = [384, 0], sizes = [128, 64], strides = [1, 1]} : vector<2048x64xf32> to vector<128x64xf32>
    %dot_general3A_174 = arith.constant dense<0.000000e+00> : vector<128x64xf32>
    %dot_general3A_175 = tpu.matmul %convert_element_type3A_35, %slice3A_173, %dot_general3A_174 {dimension_numbers = #tpu.dot_dimension_numbers<[1], [0], [0], [1], [0, 0, 1, 1], [], []>, transpose_lhs_hint = false} : vector<128x128xf32>, vector<128x64xf32>, vector<128x64xf32> -> vector<128x64xf32>
    %add3A_176 = vector.broadcast %add3A_172 : vector<1x64xf32> to vector<128x64xf32>
    %add3A_177 = arith.addf %dot_general3A_175, %add3A_176 : vector<128x64xf32>
    %add3A_178 = vector.broadcast %broadcast_in_dim3A_30 : vector<1x64xf32> to vector<128x64xf32>
    %add3A_179 = arith.addf %add3A_178, %add3A_177 : vector<128x64xf32>
    %mul3A_180 = arith.constant 7.812500e-03 : f32
    %mul3A_181 = vector.broadcast %mul3A_180 : f32 to vector<128x64xf32>
    %mul3A_182 = arith.mulf %add3A_179, %mul3A_181 : vector<128x64xf32>
    %floor3A_183 = math.floor %mul3A_182 : vector<128x64xf32>
    %mul3A_184 = arith.constant 1.280000e+02 : f32
    %mul3A_185 = vector.broadcast %mul3A_184 : f32 to vector<128x64xf32>
    %mul3A_186 = arith.mulf %floor3A_183, %mul3A_185 : vector<128x64xf32>
    %sub3A_187 = arith.subf %add3A_179, %mul3A_186 : vector<128x64xf32>
    %mul3A_188 = arith.mulf %slice3A_173, %sub3A_187 : vector<128x64xf32>
    %dot_general3A_189 = arith.constant dense<0.000000e+00> : vector<1x128xf32>
    %dot_general3A_190 = tpu.matmul %broadcast_in_dim3A_37, %mul3A_188, %dot_general3A_189 {dimension_numbers = #tpu.dot_dimension_numbers<[1], [1], [0], [0], [0, 0, 1, 0], [], []>, transpose_lhs_hint = false} : vector<1x64xf32>, vector<128x64xf32>, vector<1x128xf32> -> vector<1x128xf32>
    %mul3A_191 = arith.mulf %slice3A_173, %floor3A_183 : vector<128x64xf32>
    %dot_general3A_192 = arith.constant dense<0.000000e+00> : vector<1x128xf32>
    %dot_general3A_193 = tpu.matmul %broadcast_in_dim3A_37, %mul3A_191, %dot_general3A_192 {dimension_numbers = #tpu.dot_dimension_numbers<[1], [1], [0], [0], [0, 0, 1, 0], [], []>, transpose_lhs_hint = false} : vector<1x64xf32>, vector<128x64xf32>, vector<1x128xf32> -> vector<1x128xf32>
    %mul3A_194 = arith.constant 1.280000e+02 : f32
    %mul3A_195 = vector.broadcast %mul3A_194 : f32 to vector<1x128xf32>
    %mul3A_196 = arith.mulf %dot_general3A_193, %mul3A_195 : vector<1x128xf32>
    %add3A_197 = arith.addf %dot_general3A_190, %mul3A_196 : vector<1x128xf32>
    %convert_element_type3A_198 = arith.fptosi %add3A_197 : vector<1x128xf32> to vector<1x128xi32>
    %swap3A_199 = arith.constant 3 : index
    %swap3A_200 = arith.constant 0 : index
    %swap3A_201 = vector.load %arg3[%swap3A_199, %swap3A_200] : memref<16x128xi32, #tpu.memory_space<vmem>>, vector<1x128xi32>
    tpu.vector_store %arg3[%swap3A_199, %swap3A_200], %convert_element_type3A_198 {strides = array<i32>} : memref<16x128xi32, #tpu.memory_space<vmem>>, vector<1x128xi32>,
    %mul3A_202 = arith.mulf %slice3A_173, %add3A_179 : vector<128x64xf32>
    %reduce_sum3A_203 = arith.constant dense<0.000000e+00> : vector<128xf32>
    %reduce_sum3A_204 = vector.multi_reduction <add>, %mul3A_202, %reduce_sum3A_203 [1] : vector<128x64xf32> to vector<128xf32>
    %broadcast_in_dim3A_205 = vector.shape_cast %reduce_sum3A_204 : vector<128xf32> to vector<128x1xf32>
    %slice3A_206 = vector.extract_strided_slice %exp3A {offsets = [384, 0], sizes = [128, 64], strides = [1, 1]} : vector<2048x64xf32> to vector<128x64xf32>
    %dot_general3A_207 = arith.constant dense<0.000000e+00> : vector<1x128xf32>
    %dot_general3A_208 = tpu.matmul %broadcast_in_dim3A_37, %slice3A_206, %dot_general3A_207 {dimension_numbers = #tpu.dot_dimension_numbers<[1], [1], [0], [0], [0, 0, 1, 0], [], []>, transpose_lhs_hint = false} : vector<1x64xf32>, vector<128x64xf32>, vector<1x128xf32> -> vector<1x128xf32>
    %div3A_209 = arith.constant 1.000000e+00 : f32
    %div3A_210 = vector.broadcast %div3A_209 : f32 to vector<1x128xf32>
    %div3A_211 = arith.divf %div3A_210, %dot_general3A_208 : vector<1x128xf32>
    %swap3A_212 = arith.constant 3 : index
    %swap3A_213 = arith.constant 0 : index
    %swap3A_214 = vector.load %arg4[%swap3A_212, %swap3A_213] : memref<16x128xf32, #tpu.memory_space<vmem>>, vector<1x128xf32>
    tpu.vector_store %arg4[%swap3A_212, %swap3A_213], %div3A_211 {strides = array<i32>} : memref<16x128xf32, #tpu.memory_space<vmem>>, vector<1x128xf32>,
    %reduce_sum3A_215 = arith.constant dense<0.000000e+00> : vector<64xf32>
    %reduce_sum3A_216 = vector.multi_reduction <add>, %slice3A_173, %reduce_sum3A_215 [0] : vector<128x64xf32> to vector<64xf32>
    %broadcast_in_dim3A_217 = vector.shape_cast %reduce_sum3A_216 : vector<64xf32> to vector<1x64xf32>
    %add3A_218 = arith.addf %add3A_172, %broadcast_in_dim3A_217 : vector<1x64xf32>
    %slice3A_219 = vector.extract_strided_slice %convert_element_type3A_18 {offsets = [512, 0], sizes = [128, 64], strides = [1, 1]} : vector<2048x64xf32> to vector<128x64xf32>
    %dot_general3A_220 = arith.constant dense<0.000000e+00> : vector<128x64xf32>
    %dot_general3A_221 = tpu.matmul %convert_element_type3A_35, %slice3A_219, %dot_general3A_220 {dimension_numbers = #tpu.dot_dimension_numbers<[1], [0], [0], [1], [0, 0, 1, 1], [], []>, transpose_lhs_hint = false} : vector<128x128xf32>, vector<128x64xf32>, vector<128x64xf32> -> vector<128x64xf32>
    %add3A_222 = vector.broadcast %add3A_218 : vector<1x64xf32> to vector<128x64xf32>
    %add3A_223 = arith.addf %dot_general3A_221, %add3A_222 : vector<128x64xf32>
    %add3A_224 = vector.broadcast %broadcast_in_dim3A_30 : vector<1x64xf32> to vector<128x64xf32>
    %add3A_225 = arith.addf %add3A_224, %add3A_223 : vector<128x64xf32>
    %mul3A_226 = arith.constant 7.812500e-03 : f32
    %mul3A_227 = vector.broadcast %mul3A_226 : f32 to vector<128x64xf32>
    %mul3A_228 = arith.mulf %add3A_225, %mul3A_227 : vector<128x64xf32>
    %floor3A_229 = math.floor %mul3A_228 : vector<128x64xf32>
    %mul3A_230 = arith.constant 1.280000e+02 : f32
    %mul3A_231 = vector.broadcast %mul3A_230 : f32 to vector<128x64xf32>
    %mul3A_232 = arith.mulf %floor3A_229, %mul3A_231 : vector<128x64xf32>
    %sub3A_233 = arith.subf %add3A_225, %mul3A_232 : vector<128x64xf32>
    %mul3A_234 = arith.mulf %slice3A_219, %sub3A_233 : vector<128x64xf32>
    %dot_general3A_235 = arith.constant dense<0.000000e+00> : vector<1x128xf32>
    %dot_general3A_236 = tpu.matmul %broadcast_in_dim3A_37, %mul3A_234, %dot_general3A_235 {dimension_numbers = #tpu.dot_dimension_numbers<[1], [1], [0], [0], [0, 0, 1, 0], [], []>, transpose_lhs_hint = false} : vector<1x64xf32>, vector<128x64xf32>, vector<1x128xf32> -> vector<1x128xf32>
    %mul3A_237 = arith.mulf %slice3A_219, %floor3A_229 : vector<128x64xf32>
    %dot_general3A_238 = arith.constant dense<0.000000e+00> : vector<1x128xf32>
    %dot_general3A_239 = tpu.matmul %broadcast_in_dim3A_37, %mul3A_237, %dot_general3A_238 {dimension_numbers = #tpu.dot_dimension_numbers<[1], [1], [0], [0], [0, 0, 1, 0], [], []>, transpose_lhs_hint = false} : vector<1x64xf32>, vector<128x64xf32>, vector<1x128xf32> -> vector<1x128xf32>
    %mul3A_240 = arith.constant 1.280000e+02 : f32
    %mul3A_241 = vector.broadcast %mul3A_240 : f32 to vector<1x128xf32>
    %mul3A_242 = arith.mulf %dot_general3A_239, %mul3A_241 : vector<1x128xf32>
    %add3A_243 = arith.addf %dot_general3A_236, %mul3A_242 : vector<1x128xf32>
    %convert_element_type3A_244 = arith.fptosi %add3A_243 : vector<1x128xf32> to vector<1x128xi32>
    %swap3A_245 = arith.constant 4 : index
    %swap3A_246 = arith.constant 0 : index
    %swap3A_247 = vector.load %arg3[%swap3A_245, %swap3A_246] : memref<16x128xi32, #tpu.memory_space<vmem>>, vector<1x128xi32>
    tpu.vector_store %arg3[%swap3A_245, %swap3A_246], %convert_element_type3A_244 {strides = array<i32>} : memref<16x128xi32, #tpu.memory_space<vmem>>, vector<1x128xi32>,
    %mul3A_248 = arith.mulf %slice3A_219, %add3A_225 : vector<128x64xf32>
    %reduce_sum3A_249 = arith.constant dense<0.000000e+00> : vector<128xf32>
    %reduce_sum3A_250 = vector.multi_reduction <add>, %mul3A_248, %reduce_sum3A_249 [1] : vector<128x64xf32> to vector<128xf32>
    %broadcast_in_dim3A_251 = vector.shape_cast %reduce_sum3A_250 : vector<128xf32> to vector<128x1xf32>
    %slice3A_252 = vector.extract_strided_slice %exp3A {offsets = [512, 0], sizes = [128, 64], strides = [1, 1]} : vector<2048x64xf32> to vector<128x64xf32>
    %dot_general3A_253 = arith.constant dense<0.000000e+00> : vector<1x128xf32>
    %dot_general3A_254 = tpu.matmul %broadcast_in_dim3A_37, %slice3A_252, %dot_general3A_253 {dimension_numbers = #tpu.dot_dimension_numbers<[1], [1], [0], [0], [0, 0, 1, 0], [], []>, transpose_lhs_hint = false} : vector<1x64xf32>, vector<128x64xf32>, vector<1x128xf32> -> vector<1x128xf32>
    %div3A_255 = arith.constant 1.000000e+00 : f32
    %div3A_256 = vector.broadcast %div3A_255 : f32 to vector<1x128xf32>
    %div3A_257 = arith.divf %div3A_256, %dot_general3A_254 : vector<1x128xf32>
    %swap3A_258 = arith.constant 4 : index
    %swap3A_259 = arith.constant 0 : index
    %swap3A_260 = vector.load %arg4[%swap3A_258, %swap3A_259] : memref<16x128xf32, #tpu.memory_space<vmem>>, vector<1x128xf32>
    tpu.vector_store %arg4[%swap3A_258, %swap3A_259], %div3A_257 {strides = array<i32>} : memref<16x128xf32, #tpu.memory_space<vmem>>, vector<1x128xf32>,
    %reduce_sum3A_261 = arith.constant dense<0.000000e+00> : vector<64xf32>
    %reduce_sum3A_262 = vector.multi_reduction <add>, %slice3A_219, %reduce_sum3A_261 [0] : vector<128x64xf32> to vector<64xf32>
    %broadcast_in_dim3A_263 = vector.shape_cast %reduce_sum3A_262 : vector<64xf32> to vector<1x64xf32>
    %add3A_264 = arith.addf %add3A_218, %broadcast_in_dim3A_263 : vector<1x64xf32>
    %slice3A_265 = vector.extract_strided_slice %convert_element_type3A_18 {offsets = [640, 0], sizes = [128, 64], strides = [1, 1]} : vector<2048x64xf32> to vector<128x64xf32>
    %dot_general3A_266 = arith.constant dense<0.000000e+00> : vector<128x64xf32>
    %dot_general3A_267 = tpu.matmul %convert_element_type3A_35, %slice3A_265, %dot_general3A_266 {dimension_numbers = #tpu.dot_dimension_numbers<[1], [0], [0], [1], [0, 0, 1, 1], [], []>, transpose_lhs_hint = false} : vector<128x128xf32>, vector<128x64xf32>, vector<128x64xf32> -> vector<128x64xf32>
    %add3A_268 = vector.broadcast %add3A_264 : vector<1x64xf32> to vector<128x64xf32>
    %add3A_269 = arith.addf %dot_general3A_267, %add3A_268 : vector<128x64xf32>
    %add3A_270 = vector.broadcast %broadcast_in_dim3A_30 : vector<1x64xf32> to vector<128x64xf32>
    %add3A_271 = arith.addf %add3A_270, %add3A_269 : vector<128x64xf32>
    %mul3A_272 = arith.constant 7.812500e-03 : f32
    %mul3A_273 = vector.broadcast %mul3A_272 : f32 to vector<128x64xf32>
    %mul3A_274 = arith.mulf %add3A_271, %mul3A_273 : vector<128x64xf32>
    %floor3A_275 = math.floor %mul3A_274 : vector<128x64xf32>
    %mul3A_276 = arith.constant 1.280000e+02 : f32
    %mul3A_277 = vector.broadcast %mul3A_276 : f32 to vector<128x64xf32>
    %mul3A_278 = arith.mulf %floor3A_275, %mul3A_277 : vector<128x64xf32>
    %sub3A_279 = arith.subf %add3A_271, %mul3A_278 : vector<128x64xf32>
    %mul3A_280 = arith.mulf %slice3A_265, %sub3A_279 : vector<128x64xf32>
    %dot_general3A_281 = arith.constant dense<0.000000e+00> : vector<1x128xf32>
    %dot_general3A_282 = tpu.matmul %broadcast_in_dim3A_37, %mul3A_280, %dot_general3A_281 {dimension_numbers = #tpu.dot_dimension_numbers<[1], [1], [0], [0], [0, 0, 1, 0], [], []>, transpose_lhs_hint = false} : vector<1x64xf32>, vector<128x64xf32>, vector<1x128xf32> -> vector<1x128xf32>
    %mul3A_283 = arith.mulf %slice3A_265, %floor3A_275 : vector<128x64xf32>
    %dot_general3A_284 = arith.constant dense<0.000000e+00> : vector<1x128xf32>
    %dot_general3A_285 = tpu.matmul %broadcast_in_dim3A_37, %mul3A_283, %dot_general3A_284 {dimension_numbers = #tpu.dot_dimension_numbers<[1], [1], [0], [0], [0, 0, 1, 0], [], []>, transpose_lhs_hint = false} : vector<1x64xf32>, vector<128x64xf32>, vector<1x128xf32> -> vector<1x128xf32>
    %mul3A_286 = arith.constant 1.280000e+02 : f32
    %mul3A_287 = vector.broadcast %mul3A_286 : f32 to vector<1x128xf32>
    %mul3A_288 = arith.mulf %dot_general3A_285, %mul3A_287 : vector<1x128xf32>
    %add3A_289 = arith.addf %dot_general3A_282, %mul3A_288 : vector<1x128xf32>
    %convert_element_type3A_290 = arith.fptosi %add3A_289 : vector<1x128xf32> to vector<1x128xi32>
    %swap3A_291 = arith.constant 5 : index
    %swap3A_292 = arith.constant 0 : index
    %swap3A_293 = vector.load %arg3[%swap3A_291, %swap3A_292] : memref<16x128xi32, #tpu.memory_space<vmem>>, vector<1x128xi32>
    tpu.vector_store %arg3[%swap3A_291, %swap3A_292], %convert_element_type3A_290 {strides = array<i32>} : memref<16x128xi32, #tpu.memory_space<vmem>>, vector<1x128xi32>,
    %mul3A_294 = arith.mulf %slice3A_265, %add3A_271 : vector<128x64xf32>
    %reduce_sum3A_295 = arith.constant dense<0.000000e+00> : vector<128xf32>
    %reduce_sum3A_296 = vector.multi_reduction <add>, %mul3A_294, %reduce_sum3A_295 [1] : vector<128x64xf32> to vector<128xf32>
    %broadcast_in_dim3A_297 = vector.shape_cast %reduce_sum3A_296 : vector<128xf32> to vector<128x1xf32>
    %slice3A_298 = vector.extract_strided_slice %exp3A {offsets = [640, 0], sizes = [128, 64], strides = [1, 1]} : vector<2048x64xf32> to vector<128x64xf32>
    %dot_general3A_299 = arith.constant dense<0.000000e+00> : vector<1x128xf32>
    %dot_general3A_300 = tpu.matmul %broadcast_in_dim3A_37, %slice3A_298, %dot_general3A_299 {dimension_numbers = #tpu.dot_dimension_numbers<[1], [1], [0], [0], [0, 0, 1, 0], [], []>, transpose_lhs_hint = false} : vector<1x64xf32>, vector<128x64xf32>, vector<1x128xf32> -> vector<1x128xf32>
    %div3A_301 = arith.constant 1.000000e+00 : f32
    %div3A_302 = vector.broadcast %div3A_301 : f32 to vector<1x128xf32>
    %div3A_303 = arith.divf %div3A_302, %dot_general3A_300 : vector<1x128xf32>
    %swap3A_304 = arith.constant 5 : index
    %swap3A_305 = arith.constant 0 : index
    %swap3A_306 = vector.load %arg4[%swap3A_304, %swap3A_305] : memref<16x128xf32, #tpu.memory_space<vmem>>, vector<1x128xf32>
    tpu.vector_store %arg4[%swap3A_304, %swap3A_305], %div3A_303 {strides = array<i32>} : memref<16x128xf32, #tpu.memory_space<vmem>>, vector<1x128xf32>,
    %reduce_sum3A_307 = arith.constant dense<0.000000e+00> : vector<64xf32>
    %reduce_sum3A_308 = vector.multi_reduction <add>, %slice3A_265, %reduce_sum3A_307 [0] : vector<128x64xf32> to vector<64xf32>
    %broadcast_in_dim3A_309 = vector.shape_cast %reduce_sum3A_308 : vector<64xf32> to vector<1x64xf32>
    %add3A_310 = arith.addf %add3A_264, %broadcast_in_dim3A_309 : vector<1x64xf32>
    %slice3A_311 = vector.extract_strided_slice %convert_element_type3A_18 {offsets = [768, 0], sizes = [128, 64], strides = [1, 1]} : vector<2048x64xf32> to vector<128x64xf32>
    %dot_general3A_312 = arith.constant dense<0.000000e+00> : vector<128x64xf32>
    %dot_general3A_313 = tpu.matmul %convert_element_type3A_35, %slice3A_311, %dot_general3A_312 {dimension_numbers = #tpu.dot_dimension_numbers<[1], [0], [0], [1], [0, 0, 1, 1], [], []>, transpose_lhs_hint = false} : vector<128x128xf32>, vector<128x64xf32>, vector<128x64xf32> -> vector<128x64xf32>
    %add3A_314 = vector.broadcast %add3A_310 : vector<1x64xf32> to vector<128x64xf32>
    %add3A_315 = arith.addf %dot_general3A_313, %add3A_314 : vector<128x64xf32>
    %add3A_316 = vector.broadcast %broadcast_in_dim3A_30 : vector<1x64xf32> to vector<128x64xf32>
    %add3A_317 = arith.addf %add3A_316, %add3A_315 : vector<128x64xf32>
    %mul3A_318 = arith.constant 7.812500e-03 : f32
    %mul3A_319 = vector.broadcast %mul3A_318 : f32 to vector<128x64xf32>
    %mul3A_320 = arith.mulf %add3A_317, %mul3A_319 : vector<128x64xf32>
    %floor3A_321 = math.floor %mul3A_320 : vector<128x64xf32>
    %mul3A_322 = arith.constant 1.280000e+02 : f32
    %mul3A_323 = vector.broadcast %mul3A_322 : f32 to vector<128x64xf32>
    %mul3A_324 = arith.mulf %floor3A_321, %mul3A_323 : vector<128x64xf32>
    %sub3A_325 = arith.subf %add3A_317, %mul3A_324 : vector<128x64xf32>
    %mul3A_326 = arith.mulf %slice3A_311, %sub3A_325 : vector<128x64xf32>
    %dot_general3A_327 = arith.constant dense<0.000000e+00> : vector<1x128xf32>
    %dot_general3A_328 = tpu.matmul %broadcast_in_dim3A_37, %mul3A_326, %dot_general3A_327 {dimension_numbers = #tpu.dot_dimension_numbers<[1], [1], [0], [0], [0, 0, 1, 0], [], []>, transpose_lhs_hint = false} : vector<1x64xf32>, vector<128x64xf32>, vector<1x128xf32> -> vector<1x128xf32>
    %mul3A_329 = arith.mulf %slice3A_311, %floor3A_321 : vector<128x64xf32>
    %dot_general3A_330 = arith.constant dense<0.000000e+00> : vector<1x128xf32>
    %dot_general3A_331 = tpu.matmul %broadcast_in_dim3A_37, %mul3A_329, %dot_general3A_330 {dimension_numbers = #tpu.dot_dimension_numbers<[1], [1], [0], [0], [0, 0, 1, 0], [], []>, transpose_lhs_hint = false} : vector<1x64xf32>, vector<128x64xf32>, vector<1x128xf32> -> vector<1x128xf32>
    %mul3A_332 = arith.constant 1.280000e+02 : f32
    %mul3A_333 = vector.broadcast %mul3A_332 : f32 to vector<1x128xf32>
    %mul3A_334 = arith.mulf %dot_general3A_331, %mul3A_333 : vector<1x128xf32>
    %add3A_335 = arith.addf %dot_general3A_328, %mul3A_334 : vector<1x128xf32>
    %convert_element_type3A_336 = arith.fptosi %add3A_335 : vector<1x128xf32> to vector<1x128xi32>
    %swap3A_337 = arith.constant 6 : index
    %swap3A_338 = arith.constant 0 : index
    %swap3A_339 = vector.load %arg3[%swap3A_337, %swap3A_338] : memref<16x128xi32, #tpu.memory_space<vmem>>, vector<1x128xi32>
    tpu.vector_store %arg3[%swap3A_337, %swap3A_338], %convert_element_type3A_336 {strides = array<i32>} : memref<16x128xi32, #tpu.memory_space<vmem>>, vector<1x128xi32>,
    %mul3A_340 = arith.mulf %slice3A_311, %add3A_317 : vector<128x64xf32>
    %reduce_sum3A_341 = arith.constant dense<0.000000e+00> : vector<128xf32>
    %reduce_sum3A_342 = vector.multi_reduction <add>, %mul3A_340, %reduce_sum3A_341 [1] : vector<128x64xf32> to vector<128xf32>
    %broadcast_in_dim3A_343 = vector.shape_cast %reduce_sum3A_342 : vector<128xf32> to vector<128x1xf32>
    %slice3A_344 = vector.extract_strided_slice %exp3A {offsets = [768, 0], sizes = [128, 64], strides = [1, 1]} : vector<2048x64xf32> to vector<128x64xf32>
    %dot_general3A_345 = arith.constant dense<0.000000e+00> : vector<1x128xf32>
    %dot_general3A_346 = tpu.matmul %broadcast_in_dim3A_37, %slice3A_344, %dot_general3A_345 {dimension_numbers = #tpu.dot_dimension_numbers<[1], [1], [0], [0], [0, 0, 1, 0], [], []>, transpose_lhs_hint = false} : vector<1x64xf32>, vector<128x64xf32>, vector<1x128xf32> -> vector<1x128xf32>
    %div3A_347 = arith.constant 1.000000e+00 : f32
    %div3A_348 = vector.broadcast %div3A_347 : f32 to vector<1x128xf32>
    %div3A_349 = arith.divf %div3A_348, %dot_general3A_346 : vector<1x128xf32>
    %swap3A_350 = arith.constant 6 : index
    %swap3A_351 = arith.constant 0 : index
    %swap3A_352 = vector.load %arg4[%swap3A_350, %swap3A_351] : memref<16x128xf32, #tpu.memory_space<vmem>>, vector<1x128xf32>
    tpu.vector_store %arg4[%swap3A_350, %swap3A_351], %div3A_349 {strides = array<i32>} : memref<16x128xf32, #tpu.memory_space<vmem>>, vector<1x128xf32>,
    %reduce_sum3A_353 = arith.constant dense<0.000000e+00> : vector<64xf32>
    %reduce_sum3A_354 = vector.multi_reduction <add>, %slice3A_311, %reduce_sum3A_353 [0] : vector<128x64xf32> to vector<64xf32>
    %broadcast_in_dim3A_355 = vector.shape_cast %reduce_sum3A_354 : vector<64xf32> to vector<1x64xf32>
    %add3A_356 = arith.addf %add3A_310, %broadcast_in_dim3A_355 : vector<1x64xf32>
    %slice3A_357 = vector.extract_strided_slice %convert_element_type3A_18 {offsets = [896, 0], sizes = [128, 64], strides = [1, 1]} : vector<2048x64xf32> to vector<128x64xf32>
    %dot_general3A_358 = arith.constant dense<0.000000e+00> : vector<128x64xf32>
    %dot_general3A_359 = tpu.matmul %convert_element_type3A_35, %slice3A_357, %dot_general3A_358 {dimension_numbers = #tpu.dot_dimension_numbers<[1], [0], [0], [1], [0, 0, 1, 1], [], []>, transpose_lhs_hint = false} : vector<128x128xf32>, vector<128x64xf32>, vector<128x64xf32> -> vector<128x64xf32>
    %add3A_360 = vector.broadcast %add3A_356 : vector<1x64xf32> to vector<128x64xf32>
    %add3A_361 = arith.addf %dot_general3A_359, %add3A_360 : vector<128x64xf32>
    %add3A_362 = vector.broadcast %broadcast_in_dim3A_30 : vector<1x64xf32> to vector<128x64xf32>
    %add3A_363 = arith.addf %add3A_362, %add3A_361 : vector<128x64xf32>
    %mul3A_364 = arith.constant 7.812500e-03 : f32
    %mul3A_365 = vector.broadcast %mul3A_364 : f32 to vector<128x64xf32>
    %mul3A_366 = arith.mulf %add3A_363, %mul3A_365 : vector<128x64xf32>
    %floor3A_367 = math.floor %mul3A_366 : vector<128x64xf32>
    %mul3A_368 = arith.constant 1.280000e+02 : f32
    %mul3A_369 = vector.broadcast %mul3A_368 : f32 to vector<128x64xf32>
    %mul3A_370 = arith.mulf %floor3A_367, %mul3A_369 : vector<128x64xf32>
    %sub3A_371 = arith.subf %add3A_363, %mul3A_370 : vector<128x64xf32>
    %mul3A_372 = arith.mulf %slice3A_357, %sub3A_371 : vector<128x64xf32>
    %dot_general3A_373 = arith.constant dense<0.000000e+00> : vector<1x128xf32>
    %dot_general3A_374 = tpu.matmul %broadcast_in_dim3A_37, %mul3A_372, %dot_general3A_373 {dimension_numbers = #tpu.dot_dimension_numbers<[1], [1], [0], [0], [0, 0, 1, 0], [], []>, transpose_lhs_hint = false} : vector<1x64xf32>, vector<128x64xf32>, vector<1x128xf32> -> vector<1x128xf32>
    %mul3A_375 = arith.mulf %slice3A_357, %floor3A_367 : vector<128x64xf32>
    %dot_general3A_376 = arith.constant dense<0.000000e+00> : vector<1x128xf32>
    %dot_general3A_377 = tpu.matmul %broadcast_in_dim3A_37, %mul3A_375, %dot_general3A_376 {dimension_numbers = #tpu.dot_dimension_numbers<[1], [1], [0], [0], [0, 0, 1, 0], [], []>, transpose_lhs_hint = false} : vector<1x64xf32>, vector<128x64xf32>, vector<1x128xf32> -> vector<1x128xf32>
    %mul3A_378 = arith.constant 1.280000e+02 : f32
    %mul3A_379 = vector.broadcast %mul3A_378 : f32 to vector<1x128xf32>
    %mul3A_380 = arith.mulf %dot_general3A_377, %mul3A_379 : vector<1x128xf32>
    %add3A_381 = arith.addf %dot_general3A_374, %mul3A_380 : vector<1x128xf32>
    %convert_element_type3A_382 = arith.fptosi %add3A_381 : vector<1x128xf32> to vector<1x128xi32>
    %swap3A_383 = arith.constant 7 : index
    %swap3A_384 = arith.constant 0 : index
    %swap3A_385 = vector.load %arg3[%swap3A_383, %swap3A_384] : memref<16x128xi32, #tpu.memory_space<vmem>>, vector<1x128xi32>
    tpu.vector_store %arg3[%swap3A_383, %swap3A_384], %convert_element_type3A_382 {strides = array<i32>} : memref<16x128xi32, #tpu.memory_space<vmem>>, vector<1x128xi32>,
    %mul3A_386 = arith.mulf %slice3A_357, %add3A_363 : vector<128x64xf32>
    %reduce_sum3A_387 = arith.constant dense<0.000000e+00> : vector<128xf32>
    %reduce_sum3A_388 = vector.multi_reduction <add>, %mul3A_386, %reduce_sum3A_387 [1] : vector<128x64xf32> to vector<128xf32>
    %broadcast_in_dim3A_389 = vector.shape_cast %reduce_sum3A_388 : vector<128xf32> to vector<128x1xf32>
    %slice3A_390 = vector.extract_strided_slice %exp3A {offsets = [896, 0], sizes = [128, 64], strides = [1, 1]} : vector<2048x64xf32> to vector<128x64xf32>
    %dot_general3A_391 = arith.constant dense<0.000000e+00> : vector<1x128xf32>
    %dot_general3A_392 = tpu.matmul %broadcast_in_dim3A_37, %slice3A_390, %dot_general3A_391 {dimension_numbers = #tpu.dot_dimension_numbers<[1], [1], [0], [0], [0, 0, 1, 0], [], []>, transpose_lhs_hint = false} : vector<1x64xf32>, vector<128x64xf32>, vector<1x128xf32> -> vector<1x128xf32>
    %div3A_393 = arith.constant 1.000000e+00 : f32
    %div3A_394 = vector.broadcast %div3A_393 : f32 to vector<1x128xf32>
    %div3A_395 = arith.divf %div3A_394, %dot_general3A_392 : vector<1x128xf32>
    %swap3A_396 = arith.constant 7 : index
    %swap3A_397 = arith.constant 0 : index
    %swap3A_398 = vector.load %arg4[%swap3A_396, %swap3A_397] : memref<16x128xf32, #tpu.memory_space<vmem>>, vector<1x128xf32>
    tpu.vector_store %arg4[%swap3A_396, %swap3A_397], %div3A_395 {strides = array<i32>} : memref<16x128xf32, #tpu.memory_space<vmem>>, vector<1x128xf32>,
    %reduce_sum3A_399 = arith.constant dense<0.000000e+00> : vector<64xf32>
    %reduce_sum3A_400 = vector.multi_reduction <add>, %slice3A_357, %reduce_sum3A_399 [0] : vector<128x64xf32> to vector<64xf32>
    %broadcast_in_dim3A_401 = vector.shape_cast %reduce_sum3A_400 : vector<64xf32> to vector<1x64xf32>
    %add3A_402 = arith.addf %add3A_356, %broadcast_in_dim3A_401 : vector<1x64xf32>
    %slice3A_403 = vector.extract_strided_slice %convert_element_type3A_18 {offsets = [1024, 0], sizes = [128, 64], strides = [1, 1]} : vector<2048x64xf32> to vector<128x64xf32>
    %dot_general3A_404 = arith.constant dense<0.000000e+00> : vector<128x64xf32>
    %dot_general3A_405 = tpu.matmul %convert_element_type3A_35, %slice3A_403, %dot_general3A_404 {dimension_numbers = #tpu.dot_dimension_numbers<[1], [0], [0], [1], [0, 0, 1, 1], [], []>, transpose_lhs_hint = false} : vector<128x128xf32>, vector<128x64xf32>, vector<128x64xf32> -> vector<128x64xf32>
    %add3A_406 = vector.broadcast %add3A_402 : vector<1x64xf32> to vector<128x64xf32>
    %add3A_407 = arith.addf %dot_general3A_405, %add3A_406 : vector<128x64xf32>
    %add3A_408 = vector.broadcast %broadcast_in_dim3A_30 : vector<1x64xf32> to vector<128x64xf32>
    %add3A_409 = arith.addf %add3A_408, %add3A_407 : vector<128x64xf32>
    %mul3A_410 = arith.constant 7.812500e-03 : f32
    %mul3A_411 = vector.broadcast %mul3A_410 : f32 to vector<128x64xf32>
    %mul3A_412 = arith.mulf %add3A_409, %mul3A_411 : vector<128x64xf32>
    %floor3A_413 = math.floor %mul3A_412 : vector<128x64xf32>
    %mul3A_414 = arith.constant 1.280000e+02 : f32
    %mul3A_415 = vector.broadcast %mul3A_414 : f32 to vector<128x64xf32>
    %mul3A_416 = arith.mulf %floor3A_413, %mul3A_415 : vector<128x64xf32>
    %sub3A_417 = arith.subf %add3A_409, %mul3A_416 : vector<128x64xf32>
    %mul3A_418 = arith.mulf %slice3A_403, %sub3A_417 : vector<128x64xf32>
    %dot_general3A_419 = arith.constant dense<0.000000e+00> : vector<1x128xf32>
    %dot_general3A_420 = tpu.matmul %broadcast_in_dim3A_37, %mul3A_418, %dot_general3A_419 {dimension_numbers = #tpu.dot_dimension_numbers<[1], [1], [0], [0], [0, 0, 1, 0], [], []>, transpose_lhs_hint = false} : vector<1x64xf32>, vector<128x64xf32>, vector<1x128xf32> -> vector<1x128xf32>
    %mul3A_421 = arith.mulf %slice3A_403, %floor3A_413 : vector<128x64xf32>
    %dot_general3A_422 = arith.constant dense<0.000000e+00> : vector<1x128xf32>
    %dot_general3A_423 = tpu.matmul %broadcast_in_dim3A_37, %mul3A_421, %dot_general3A_422 {dimension_numbers = #tpu.dot_dimension_numbers<[1], [1], [0], [0], [0, 0, 1, 0], [], []>, transpose_lhs_hint = false} : vector<1x64xf32>, vector<128x64xf32>, vector<1x128xf32> -> vector<1x128xf32>
    %mul3A_424 = arith.constant 1.280000e+02 : f32
    %mul3A_425 = vector.broadcast %mul3A_424 : f32 to vector<1x128xf32>
    %mul3A_426 = arith.mulf %dot_general3A_423, %mul3A_425 : vector<1x128xf32>
    %add3A_427 = arith.addf %dot_general3A_420, %mul3A_426 : vector<1x128xf32>
    %convert_element_type3A_428 = arith.fptosi %add3A_427 : vector<1x128xf32> to vector<1x128xi32>
    %swap3A_429 = arith.constant 8 : index
    %swap3A_430 = arith.constant 0 : index
    %swap3A_431 = vector.load %arg3[%swap3A_429, %swap3A_430] : memref<16x128xi32, #tpu.memory_space<vmem>>, vector<1x128xi32>
    tpu.vector_store %arg3[%swap3A_429, %swap3A_430], %convert_element_type3A_428 {strides = array<i32>} : memref<16x128xi32, #tpu.memory_space<vmem>>, vector<1x128xi32>,
    %mul3A_432 = arith.mulf %slice3A_403, %add3A_409 : vector<128x64xf32>
    %reduce_sum3A_433 = arith.constant dense<0.000000e+00> : vector<128xf32>
    %reduce_sum3A_434 = vector.multi_reduction <add>, %mul3A_432, %reduce_sum3A_433 [1] : vector<128x64xf32> to vector<128xf32>
    %broadcast_in_dim3A_435 = vector.shape_cast %reduce_sum3A_434 : vector<128xf32> to vector<128x1xf32>
    %slice3A_436 = vector.extract_strided_slice %exp3A {offsets = [1024, 0], sizes = [128, 64], strides = [1, 1]} : vector<2048x64xf32> to vector<128x64xf32>
    %dot_general3A_437 = arith.constant dense<0.000000e+00> : vector<1x128xf32>
    %dot_general3A_438 = tpu.matmul %broadcast_in_dim3A_37, %slice3A_436, %dot_general3A_437 {dimension_numbers = #tpu.dot_dimension_numbers<[1], [1], [0], [0], [0, 0, 1, 0], [], []>, transpose_lhs_hint = false} : vector<1x64xf32>, vector<128x64xf32>, vector<1x128xf32> -> vector<1x128xf32>
    %div3A_439 = arith.constant 1.000000e+00 : f32
    %div3A_440 = vector.broadcast %div3A_439 : f32 to vector<1x128xf32>
    %div3A_441 = arith.divf %div3A_440, %dot_general3A_438 : vector<1x128xf32>
    %swap3A_442 = arith.constant 8 : index
    %swap3A_443 = arith.constant 0 : index
    %swap3A_444 = vector.load %arg4[%swap3A_442, %swap3A_443] : memref<16x128xf32, #tpu.memory_space<vmem>>, vector<1x128xf32>
    tpu.vector_store %arg4[%swap3A_442, %swap3A_443], %div3A_441 {strides = array<i32>} : memref<16x128xf32, #tpu.memory_space<vmem>>, vector<1x128xf32>,
    %reduce_sum3A_445 = arith.constant dense<0.000000e+00> : vector<64xf32>
    %reduce_sum3A_446 = vector.multi_reduction <add>, %slice3A_403, %reduce_sum3A_445 [0] : vector<128x64xf32> to vector<64xf32>
    %broadcast_in_dim3A_447 = vector.shape_cast %reduce_sum3A_446 : vector<64xf32> to vector<1x64xf32>
    %add3A_448 = arith.addf %add3A_402, %broadcast_in_dim3A_447 : vector<1x64xf32>
    %slice3A_449 = vector.extract_strided_slice %convert_element_type3A_18 {offsets = [1152, 0], sizes = [128, 64], strides = [1, 1]} : vector<2048x64xf32> to vector<128x64xf32>
    %dot_general3A_450 = arith.constant dense<0.000000e+00> : vector<128x64xf32>
    %dot_general3A_451 = tpu.matmul %convert_element_type3A_35, %slice3A_449, %dot_general3A_450 {dimension_numbers = #tpu.dot_dimension_numbers<[1], [0], [0], [1], [0, 0, 1, 1], [], []>, transpose_lhs_hint = false} : vector<128x128xf32>, vector<128x64xf32>, vector<128x64xf32> -> vector<128x64xf32>
    %add3A_452 = vector.broadcast %add3A_448 : vector<1x64xf32> to vector<128x64xf32>
    %add3A_453 = arith.addf %dot_general3A_451, %add3A_452 : vector<128x64xf32>
    %add3A_454 = vector.broadcast %broadcast_in_dim3A_30 : vector<1x64xf32> to vector<128x64xf32>
    %add3A_455 = arith.addf %add3A_454, %add3A_453 : vector<128x64xf32>
    %mul3A_456 = arith.constant 7.812500e-03 : f32
    %mul3A_457 = vector.broadcast %mul3A_456 : f32 to vector<128x64xf32>
    %mul3A_458 = arith.mulf %add3A_455, %mul3A_457 : vector<128x64xf32>
    %floor3A_459 = math.floor %mul3A_458 : vector<128x64xf32>
    %mul3A_460 = arith.constant 1.280000e+02 : f32
    %mul3A_461 = vector.broadcast %mul3A_460 : f32 to vector<128x64xf32>
    %mul3A_462 = arith.mulf %floor3A_459, %mul3A_461 : vector<128x64xf32>
    %sub3A_463 = arith.subf %add3A_455, %mul3A_462 : vector<128x64xf32>
    %mul3A_464 = arith.mulf %slice3A_449, %sub3A_463 : vector<128x64xf32>
    %dot_general3A_465 = arith.constant dense<0.000000e+00> : vector<1x128xf32>
    %dot_general3A_466 = tpu.matmul %broadcast_in_dim3A_37, %mul3A_464, %dot_general3A_465 {dimension_numbers = #tpu.dot_dimension_numbers<[1], [1], [0], [0], [0, 0, 1, 0], [], []>, transpose_lhs_hint = false} : vector<1x64xf32>, vector<128x64xf32>, vector<1x128xf32> -> vector<1x128xf32>
    %mul3A_467 = arith.mulf %slice3A_449, %floor3A_459 : vector<128x64xf32>
    %dot_general3A_468 = arith.constant dense<0.000000e+00> : vector<1x128xf32>
    %dot_general3A_469 = tpu.matmul %broadcast_in_dim3A_37, %mul3A_467, %dot_general3A_468 {dimension_numbers = #tpu.dot_dimension_numbers<[1], [1], [0], [0], [0, 0, 1, 0], [], []>, transpose_lhs_hint = false} : vector<1x64xf32>, vector<128x64xf32>, vector<1x128xf32> -> vector<1x128xf32>
    %mul3A_470 = arith.constant 1.280000e+02 : f32
    %mul3A_471 = vector.broadcast %mul3A_470 : f32 to vector<1x128xf32>
    %mul3A_472 = arith.mulf %dot_general3A_469, %mul3A_471 : vector<1x128xf32>
    %add3A_473 = arith.addf %dot_general3A_466, %mul3A_472 : vector<1x128xf32>
    %convert_element_type3A_474 = arith.fptosi %add3A_473 : vector<1x128xf32> to vector<1x128xi32>
    %swap3A_475 = arith.constant 9 : index
    %swap3A_476 = arith.constant 0 : index
    %swap3A_477 = vector.load %arg3[%swap3A_475, %swap3A_476] : memref<16x128xi32, #tpu.memory_space<vmem>>, vector<1x128xi32>
    tpu.vector_store %arg3[%swap3A_475, %swap3A_476], %convert_element_type3A_474 {strides = array<i32>} : memref<16x128xi32, #tpu.memory_space<vmem>>, vector<1x128xi32>,
    %mul3A_478 = arith.mulf %slice3A_449, %add3A_455 : vector<128x64xf32>
    %reduce_sum3A_479 = arith.constant dense<0.000000e+00> : vector<128xf32>
    %reduce_sum3A_480 = vector.multi_reduction <add>, %mul3A_478, %reduce_sum3A_479 [1] : vector<128x64xf32> to vector<128xf32>
    %broadcast_in_dim3A_481 = vector.shape_cast %reduce_sum3A_480 : vector<128xf32> to vector<128x1xf32>
    %slice3A_482 = vector.extract_strided_slice %exp3A {offsets = [1152, 0], sizes = [128, 64], strides = [1, 1]} : vector<2048x64xf32> to vector<128x64xf32>
    %dot_general3A_483 = arith.constant dense<0.000000e+00> : vector<1x128xf32>
    %dot_general3A_484 = tpu.matmul %broadcast_in_dim3A_37, %slice3A_482, %dot_general3A_483 {dimension_numbers = #tpu.dot_dimension_numbers<[1], [1], [0], [0], [0, 0, 1, 0], [], []>, transpose_lhs_hint = false} : vector<1x64xf32>, vector<128x64xf32>, vector<1x128xf32> -> vector<1x128xf32>
    %div3A_485 = arith.constant 1.000000e+00 : f32
    %div3A_486 = vector.broadcast %div3A_485 : f32 to vector<1x128xf32>
    %div3A_487 = arith.divf %div3A_486, %dot_general3A_484 : vector<1x128xf32>
    %swap3A_488 = arith.constant 9 : index
    %swap3A_489 = arith.constant 0 : index
    %swap3A_490 = vector.load %arg4[%swap3A_488, %swap3A_489] : memref<16x128xf32, #tpu.memory_space<vmem>>, vector<1x128xf32>
    tpu.vector_store %arg4[%swap3A_488, %swap3A_489], %div3A_487 {strides = array<i32>} : memref<16x128xf32, #tpu.memory_space<vmem>>, vector<1x128xf32>,
    %reduce_sum3A_491 = arith.constant dense<0.000000e+00> : vector<64xf32>
    %reduce_sum3A_492 = vector.multi_reduction <add>, %slice3A_449, %reduce_sum3A_491 [0] : vector<128x64xf32> to vector<64xf32>
    %broadcast_in_dim3A_493 = vector.shape_cast %reduce_sum3A_492 : vector<64xf32> to vector<1x64xf32>
    %add3A_494 = arith.addf %add3A_448, %broadcast_in_dim3A_493 : vector<1x64xf32>
    %slice3A_495 = vector.extract_strided_slice %convert_element_type3A_18 {offsets = [1280, 0], sizes = [128, 64], strides = [1, 1]} : vector<2048x64xf32> to vector<128x64xf32>
    %dot_general3A_496 = arith.constant dense<0.000000e+00> : vector<128x64xf32>
    %dot_general3A_497 = tpu.matmul %convert_element_type3A_35, %slice3A_495, %dot_general3A_496 {dimension_numbers = #tpu.dot_dimension_numbers<[1], [0], [0], [1], [0, 0, 1, 1], [], []>, transpose_lhs_hint = false} : vector<128x128xf32>, vector<128x64xf32>, vector<128x64xf32> -> vector<128x64xf32>
    %add3A_498 = vector.broadcast %add3A_494 : vector<1x64xf32> to vector<128x64xf32>
    %add3A_499 = arith.addf %dot_general3A_497, %add3A_498 : vector<128x64xf32>
    %add3A_500 = vector.broadcast %broadcast_in_dim3A_30 : vector<1x64xf32> to vector<128x64xf32>
    %add3A_501 = arith.addf %add3A_500, %add3A_499 : vector<128x64xf32>
    %mul3A_502 = arith.constant 7.812500e-03 : f32
    %mul3A_503 = vector.broadcast %mul3A_502 : f32 to vector<128x64xf32>
    %mul3A_504 = arith.mulf %add3A_501, %mul3A_503 : vector<128x64xf32>
    %floor3A_505 = math.floor %mul3A_504 : vector<128x64xf32>
    %mul3A_506 = arith.constant 1.280000e+02 : f32
    %mul3A_507 = vector.broadcast %mul3A_506 : f32 to vector<128x64xf32>
    %mul3A_508 = arith.mulf %floor3A_505, %mul3A_507 : vector<128x64xf32>
    %sub3A_509 = arith.subf %add3A_501, %mul3A_508 : vector<128x64xf32>
    %mul3A_510 = arith.mulf %slice3A_495, %sub3A_509 : vector<128x64xf32>
    %dot_general3A_511 = arith.constant dense<0.000000e+00> : vector<1x128xf32>
    %dot_general3A_512 = tpu.matmul %broadcast_in_dim3A_37, %mul3A_510, %dot_general3A_511 {dimension_numbers = #tpu.dot_dimension_numbers<[1], [1], [0], [0], [0, 0, 1, 0], [], []>, transpose_lhs_hint = false} : vector<1x64xf32>, vector<128x64xf32>, vector<1x128xf32> -> vector<1x128xf32>
    %mul3A_513 = arith.mulf %slice3A_495, %floor3A_505 : vector<128x64xf32>
    %dot_general3A_514 = arith.constant dense<0.000000e+00> : vector<1x128xf32>
    %dot_general3A_515 = tpu.matmul %broadcast_in_dim3A_37, %mul3A_513, %dot_general3A_514 {dimension_numbers = #tpu.dot_dimension_numbers<[1], [1], [0], [0], [0, 0, 1, 0], [], []>, transpose_lhs_hint = false} : vector<1x64xf32>, vector<128x64xf32>, vector<1x128xf32> -> vector<1x128xf32>
    %mul3A_516 = arith.constant 1.280000e+02 : f32
    %mul3A_517 = vector.broadcast %mul3A_516 : f32 to vector<1x128xf32>
    %mul3A_518 = arith.mulf %dot_general3A_515, %mul3A_517 : vector<1x128xf32>
    %add3A_519 = arith.addf %dot_general3A_512, %mul3A_518 : vector<1x128xf32>
    %convert_element_type3A_520 = arith.fptosi %add3A_519 : vector<1x128xf32> to vector<1x128xi32>
    %swap3A_521 = arith.constant 10 : index
    %swap3A_522 = arith.constant 0 : index
    %swap3A_523 = vector.load %arg3[%swap3A_521, %swap3A_522] : memref<16x128xi32, #tpu.memory_space<vmem>>, vector<1x128xi32>
    tpu.vector_store %arg3[%swap3A_521, %swap3A_522], %convert_element_type3A_520 {strides = array<i32>} : memref<16x128xi32, #tpu.memory_space<vmem>>, vector<1x128xi32>,
    %mul3A_524 = arith.mulf %slice3A_495, %add3A_501 : vector<128x64xf32>
    %reduce_sum3A_525 = arith.constant dense<0.000000e+00> : vector<128xf32>
    %reduce_sum3A_526 = vector.multi_reduction <add>, %mul3A_524, %reduce_sum3A_525 [1] : vector<128x64xf32> to vector<128xf32>
    %broadcast_in_dim3A_527 = vector.shape_cast %reduce_sum3A_526 : vector<128xf32> to vector<128x1xf32>
    %slice3A_528 = vector.extract_strided_slice %exp3A {offsets = [1280, 0], sizes = [128, 64], strides = [1, 1]} : vector<2048x64xf32> to vector<128x64xf32>
    %dot_general3A_529 = arith.constant dense<0.000000e+00> : vector<1x128xf32>
    %dot_general3A_530 = tpu.matmul %broadcast_in_dim3A_37, %slice3A_528, %dot_general3A_529 {dimension_numbers = #tpu.dot_dimension_numbers<[1], [1], [0], [0], [0, 0, 1, 0], [], []>, transpose_lhs_hint = false} : vector<1x64xf32>, vector<128x64xf32>, vector<1x128xf32> -> vector<1x128xf32>
    %div3A_531 = arith.constant 1.000000e+00 : f32
    %div3A_532 = vector.broadcast %div3A_531 : f32 to vector<1x128xf32>
    %div3A_533 = arith.divf %div3A_532, %dot_general3A_530 : vector<1x128xf32>
    %swap3A_534 = arith.constant 10 : index
    %swap3A_535 = arith.constant 0 : index
    %swap3A_536 = vector.load %arg4[%swap3A_534, %swap3A_535] : memref<16x128xf32, #tpu.memory_space<vmem>>, vector<1x128xf32>
    tpu.vector_store %arg4[%swap3A_534, %swap3A_535], %div3A_533 {strides = array<i32>} : memref<16x128xf32, #tpu.memory_space<vmem>>, vector<1x128xf32>,
    %reduce_sum3A_537 = arith.constant dense<0.000000e+00> : vector<64xf32>
    %reduce_sum3A_538 = vector.multi_reduction <add>, %slice3A_495, %reduce_sum3A_537 [0] : vector<128x64xf32> to vector<64xf32>
    %broadcast_in_dim3A_539 = vector.shape_cast %reduce_sum3A_538 : vector<64xf32> to vector<1x64xf32>
    %add3A_540 = arith.addf %add3A_494, %broadcast_in_dim3A_539 : vector<1x64xf32>
    %slice3A_541 = vector.extract_strided_slice %convert_element_type3A_18 {offsets = [1408, 0], sizes = [128, 64], strides = [1, 1]} : vector<2048x64xf32> to vector<128x64xf32>
    %dot_general3A_542 = arith.constant dense<0.000000e+00> : vector<128x64xf32>
    %dot_general3A_543 = tpu.matmul %convert_element_type3A_35, %slice3A_541, %dot_general3A_542 {dimension_numbers = #tpu.dot_dimension_numbers<[1], [0], [0], [1], [0, 0, 1, 1], [], []>, transpose_lhs_hint = false} : vector<128x128xf32>, vector<128x64xf32>, vector<128x64xf32> -> vector<128x64xf32>
    %add3A_544 = vector.broadcast %add3A_540 : vector<1x64xf32> to vector<128x64xf32>
    %add3A_545 = arith.addf %dot_general3A_543, %add3A_544 : vector<128x64xf32>
    %add3A_546 = vector.broadcast %broadcast_in_dim3A_30 : vector<1x64xf32> to vector<128x64xf32>
    %add3A_547 = arith.addf %add3A_546, %add3A_545 : vector<128x64xf32>
    %mul3A_548 = arith.constant 7.812500e-03 : f32
    %mul3A_549 = vector.broadcast %mul3A_548 : f32 to vector<128x64xf32>
    %mul3A_550 = arith.mulf %add3A_547, %mul3A_549 : vector<128x64xf32>
    %floor3A_551 = math.floor %mul3A_550 : vector<128x64xf32>
    %mul3A_552 = arith.constant 1.280000e+02 : f32
    %mul3A_553 = vector.broadcast %mul3A_552 : f32 to vector<128x64xf32>
    %mul3A_554 = arith.mulf %floor3A_551, %mul3A_553 : vector<128x64xf32>
    %sub3A_555 = arith.subf %add3A_547, %mul3A_554 : vector<128x64xf32>
    %mul3A_556 = arith.mulf %slice3A_541, %sub3A_555 : vector<128x64xf32>
    %dot_general3A_557 = arith.constant dense<0.000000e+00> : vector<1x128xf32>
    %dot_general3A_558 = tpu.matmul %broadcast_in_dim3A_37, %mul3A_556, %dot_general3A_557 {dimension_numbers = #tpu.dot_dimension_numbers<[1], [1], [0], [0], [0, 0, 1, 0], [], []>, transpose_lhs_hint = false} : vector<1x64xf32>, vector<128x64xf32>, vector<1x128xf32> -> vector<1x128xf32>
    %mul3A_559 = arith.mulf %slice3A_541, %floor3A_551 : vector<128x64xf32>
    %dot_general3A_560 = arith.constant dense<0.000000e+00> : vector<1x128xf32>
    %dot_general3A_561 = tpu.matmul %broadcast_in_dim3A_37, %mul3A_559, %dot_general3A_560 {dimension_numbers = #tpu.dot_dimension_numbers<[1], [1], [0], [0], [0, 0, 1, 0], [], []>, transpose_lhs_hint = false} : vector<1x64xf32>, vector<128x64xf32>, vector<1x128xf32> -> vector<1x128xf32>
    %mul3A_562 = arith.constant 1.280000e+02 : f32
    %mul3A_563 = vector.broadcast %mul3A_562 : f32 to vector<1x128xf32>
    %mul3A_564 = arith.mulf %dot_general3A_561, %mul3A_563 : vector<1x128xf32>
    %add3A_565 = arith.addf %dot_general3A_558, %mul3A_564 : vector<1x128xf32>
    %convert_element_type3A_566 = arith.fptosi %add3A_565 : vector<1x128xf32> to vector<1x128xi32>
    %swap3A_567 = arith.constant 11 : index
    %swap3A_568 = arith.constant 0 : index
    %swap3A_569 = vector.load %arg3[%swap3A_567, %swap3A_568] : memref<16x128xi32, #tpu.memory_space<vmem>>, vector<1x128xi32>
    tpu.vector_store %arg3[%swap3A_567, %swap3A_568], %convert_element_type3A_566 {strides = array<i32>} : memref<16x128xi32, #tpu.memory_space<vmem>>, vector<1x128xi32>,
    %mul3A_570 = arith.mulf %slice3A_541, %add3A_547 : vector<128x64xf32>
    %reduce_sum3A_571 = arith.constant dense<0.000000e+00> : vector<128xf32>
    %reduce_sum3A_572 = vector.multi_reduction <add>, %mul3A_570, %reduce_sum3A_571 [1] : vector<128x64xf32> to vector<128xf32>
    %broadcast_in_dim3A_573 = vector.shape_cast %reduce_sum3A_572 : vector<128xf32> to vector<128x1xf32>
    %slice3A_574 = vector.extract_strided_slice %exp3A {offsets = [1408, 0], sizes = [128, 64], strides = [1, 1]} : vector<2048x64xf32> to vector<128x64xf32>
    %dot_general3A_575 = arith.constant dense<0.000000e+00> : vector<1x128xf32>
    %dot_general3A_576 = tpu.matmul %broadcast_in_dim3A_37, %slice3A_574, %dot_general3A_575 {dimension_numbers = #tpu.dot_dimension_numbers<[1], [1], [0], [0], [0, 0, 1, 0], [], []>, transpose_lhs_hint = false} : vector<1x64xf32>, vector<128x64xf32>, vector<1x128xf32> -> vector<1x128xf32>
    %div3A_577 = arith.constant 1.000000e+00 : f32
    %div3A_578 = vector.broadcast %div3A_577 : f32 to vector<1x128xf32>
    %div3A_579 = arith.divf %div3A_578, %dot_general3A_576 : vector<1x128xf32>
    %swap3A_580 = arith.constant 11 : index
    %swap3A_581 = arith.constant 0 : index
    %swap3A_582 = vector.load %arg4[%swap3A_580, %swap3A_581] : memref<16x128xf32, #tpu.memory_space<vmem>>, vector<1x128xf32>
    tpu.vector_store %arg4[%swap3A_580, %swap3A_581], %div3A_579 {strides = array<i32>} : memref<16x128xf32, #tpu.memory_space<vmem>>, vector<1x128xf32>,
    %reduce_sum3A_583 = arith.constant dense<0.000000e+00> : vector<64xf32>
    %reduce_sum3A_584 = vector.multi_reduction <add>, %slice3A_541, %reduce_sum3A_583 [0] : vector<128x64xf32> to vector<64xf32>
    %broadcast_in_dim3A_585 = vector.shape_cast %reduce_sum3A_584 : vector<64xf32> to vector<1x64xf32>
    %add3A_586 = arith.addf %add3A_540, %broadcast_in_dim3A_585 : vector<1x64xf32>
    %slice3A_587 = vector.extract_strided_slice %convert_element_type3A_18 {offsets = [1536, 0], sizes = [128, 64], strides = [1, 1]} : vector<2048x64xf32> to vector<128x64xf32>
    %dot_general3A_588 = arith.constant dense<0.000000e+00> : vector<128x64xf32>
    %dot_general3A_589 = tpu.matmul %convert_element_type3A_35, %slice3A_587, %dot_general3A_588 {dimension_numbers = #tpu.dot_dimension_numbers<[1], [0], [0], [1], [0, 0, 1, 1], [], []>, transpose_lhs_hint = false} : vector<128x128xf32>, vector<128x64xf32>, vector<128x64xf32> -> vector<128x64xf32>
    %add3A_590 = vector.broadcast %add3A_586 : vector<1x64xf32> to vector<128x64xf32>
    %add3A_591 = arith.addf %dot_general3A_589, %add3A_590 : vector<128x64xf32>
    %add3A_592 = vector.broadcast %broadcast_in_dim3A_30 : vector<1x64xf32> to vector<128x64xf32>
    %add3A_593 = arith.addf %add3A_592, %add3A_591 : vector<128x64xf32>
    %mul3A_594 = arith.constant 7.812500e-03 : f32
    %mul3A_595 = vector.broadcast %mul3A_594 : f32 to vector<128x64xf32>
    %mul3A_596 = arith.mulf %add3A_593, %mul3A_595 : vector<128x64xf32>
    %floor3A_597 = math.floor %mul3A_596 : vector<128x64xf32>
    %mul3A_598 = arith.constant 1.280000e+02 : f32
    %mul3A_599 = vector.broadcast %mul3A_598 : f32 to vector<128x64xf32>
    %mul3A_600 = arith.mulf %floor3A_597, %mul3A_599 : vector<128x64xf32>
    %sub3A_601 = arith.subf %add3A_593, %mul3A_600 : vector<128x64xf32>
    %mul3A_602 = arith.mulf %slice3A_587, %sub3A_601 : vector<128x64xf32>
    %dot_general3A_603 = arith.constant dense<0.000000e+00> : vector<1x128xf32>
    %dot_general3A_604 = tpu.matmul %broadcast_in_dim3A_37, %mul3A_602, %dot_general3A_603 {dimension_numbers = #tpu.dot_dimension_numbers<[1], [1], [0], [0], [0, 0, 1, 0], [], []>, transpose_lhs_hint = false} : vector<1x64xf32>, vector<128x64xf32>, vector<1x128xf32> -> vector<1x128xf32>
    %mul3A_605 = arith.mulf %slice3A_587, %floor3A_597 : vector<128x64xf32>
    %dot_general3A_606 = arith.constant dense<0.000000e+00> : vector<1x128xf32>
    %dot_general3A_607 = tpu.matmul %broadcast_in_dim3A_37, %mul3A_605, %dot_general3A_606 {dimension_numbers = #tpu.dot_dimension_numbers<[1], [1], [0], [0], [0, 0, 1, 0], [], []>, transpose_lhs_hint = false} : vector<1x64xf32>, vector<128x64xf32>, vector<1x128xf32> -> vector<1x128xf32>
    %mul3A_608 = arith.constant 1.280000e+02 : f32
    %mul3A_609 = vector.broadcast %mul3A_608 : f32 to vector<1x128xf32>
    %mul3A_610 = arith.mulf %dot_general3A_607, %mul3A_609 : vector<1x128xf32>
    %add3A_611 = arith.addf %dot_general3A_604, %mul3A_610 : vector<1x128xf32>
    %convert_element_type3A_612 = arith.fptosi %add3A_611 : vector<1x128xf32> to vector<1x128xi32>
    %swap3A_613 = arith.constant 12 : index
    %swap3A_614 = arith.constant 0 : index
    %swap3A_615 = vector.load %arg3[%swap3A_613, %swap3A_614] : memref<16x128xi32, #tpu.memory_space<vmem>>, vector<1x128xi32>
    tpu.vector_store %arg3[%swap3A_613, %swap3A_614], %convert_element_type3A_612 {strides = array<i32>} : memref<16x128xi32, #tpu.memory_space<vmem>>, vector<1x128xi32>,
    %mul3A_616 = arith.mulf %slice3A_587, %add3A_593 : vector<128x64xf32>
    %reduce_sum3A_617 = arith.constant dense<0.000000e+00> : vector<128xf32>
    %reduce_sum3A_618 = vector.multi_reduction <add>, %mul3A_616, %reduce_sum3A_617 [1] : vector<128x64xf32> to vector<128xf32>
    %broadcast_in_dim3A_619 = vector.shape_cast %reduce_sum3A_618 : vector<128xf32> to vector<128x1xf32>
    %slice3A_620 = vector.extract_strided_slice %exp3A {offsets = [1536, 0], sizes = [128, 64], strides = [1, 1]} : vector<2048x64xf32> to vector<128x64xf32>
    %dot_general3A_621 = arith.constant dense<0.000000e+00> : vector<1x128xf32>
    %dot_general3A_622 = tpu.matmul %broadcast_in_dim3A_37, %slice3A_620, %dot_general3A_621 {dimension_numbers = #tpu.dot_dimension_numbers<[1], [1], [0], [0], [0, 0, 1, 0], [], []>, transpose_lhs_hint = false} : vector<1x64xf32>, vector<128x64xf32>, vector<1x128xf32> -> vector<1x128xf32>
    %div3A_623 = arith.constant 1.000000e+00 : f32
    %div3A_624 = vector.broadcast %div3A_623 : f32 to vector<1x128xf32>
    %div3A_625 = arith.divf %div3A_624, %dot_general3A_622 : vector<1x128xf32>
    %swap3A_626 = arith.constant 12 : index
    %swap3A_627 = arith.constant 0 : index
    %swap3A_628 = vector.load %arg4[%swap3A_626, %swap3A_627] : memref<16x128xf32, #tpu.memory_space<vmem>>, vector<1x128xf32>
    tpu.vector_store %arg4[%swap3A_626, %swap3A_627], %div3A_625 {strides = array<i32>} : memref<16x128xf32, #tpu.memory_space<vmem>>, vector<1x128xf32>,
    %reduce_sum3A_629 = arith.constant dense<0.000000e+00> : vector<64xf32>
    %reduce_sum3A_630 = vector.multi_reduction <add>, %slice3A_587, %reduce_sum3A_629 [0] : vector<128x64xf32> to vector<64xf32>
    %broadcast_in_dim3A_631 = vector.shape_cast %reduce_sum3A_630 : vector<64xf32> to vector<1x64xf32>
    %add3A_632 = arith.addf %add3A_586, %broadcast_in_dim3A_631 : vector<1x64xf32>
    %slice3A_633 = vector.extract_strided_slice %convert_element_type3A_18 {offsets = [1664, 0], sizes = [128, 64], strides = [1, 1]} : vector<2048x64xf32> to vector<128x64xf32>
    %dot_general3A_634 = arith.constant dense<0.000000e+00> : vector<128x64xf32>
    %dot_general3A_635 = tpu.matmul %convert_element_type3A_35, %slice3A_633, %dot_general3A_634 {dimension_numbers = #tpu.dot_dimension_numbers<[1], [0], [0], [1], [0, 0, 1, 1], [], []>, transpose_lhs_hint = false} : vector<128x128xf32>, vector<128x64xf32>, vector<128x64xf32> -> vector<128x64xf32>
    %add3A_636 = vector.broadcast %add3A_632 : vector<1x64xf32> to vector<128x64xf32>
    %add3A_637 = arith.addf %dot_general3A_635, %add3A_636 : vector<128x64xf32>
    %add3A_638 = vector.broadcast %broadcast_in_dim3A_30 : vector<1x64xf32> to vector<128x64xf32>
    %add3A_639 = arith.addf %add3A_638, %add3A_637 : vector<128x64xf32>
    %mul3A_640 = arith.constant 7.812500e-03 : f32
    %mul3A_641 = vector.broadcast %mul3A_640 : f32 to vector<128x64xf32>
    %mul3A_642 = arith.mulf %add3A_639, %mul3A_641 : vector<128x64xf32>
    %floor3A_643 = math.floor %mul3A_642 : vector<128x64xf32>
    %mul3A_644 = arith.constant 1.280000e+02 : f32
    %mul3A_645 = vector.broadcast %mul3A_644 : f32 to vector<128x64xf32>
    %mul3A_646 = arith.mulf %floor3A_643, %mul3A_645 : vector<128x64xf32>
    %sub3A_647 = arith.subf %add3A_639, %mul3A_646 : vector<128x64xf32>
    %mul3A_648 = arith.mulf %slice3A_633, %sub3A_647 : vector<128x64xf32>
    %dot_general3A_649 = arith.constant dense<0.000000e+00> : vector<1x128xf32>
    %dot_general3A_650 = tpu.matmul %broadcast_in_dim3A_37, %mul3A_648, %dot_general3A_649 {dimension_numbers = #tpu.dot_dimension_numbers<[1], [1], [0], [0], [0, 0, 1, 0], [], []>, transpose_lhs_hint = false} : vector<1x64xf32>, vector<128x64xf32>, vector<1x128xf32> -> vector<1x128xf32>
    %mul3A_651 = arith.mulf %slice3A_633, %floor3A_643 : vector<128x64xf32>
    %dot_general3A_652 = arith.constant dense<0.000000e+00> : vector<1x128xf32>
    %dot_general3A_653 = tpu.matmul %broadcast_in_dim3A_37, %mul3A_651, %dot_general3A_652 {dimension_numbers = #tpu.dot_dimension_numbers<[1], [1], [0], [0], [0, 0, 1, 0], [], []>, transpose_lhs_hint = false} : vector<1x64xf32>, vector<128x64xf32>, vector<1x128xf32> -> vector<1x128xf32>
    %mul3A_654 = arith.constant 1.280000e+02 : f32
    %mul3A_655 = vector.broadcast %mul3A_654 : f32 to vector<1x128xf32>
    %mul3A_656 = arith.mulf %dot_general3A_653, %mul3A_655 : vector<1x128xf32>
    %add3A_657 = arith.addf %dot_general3A_650, %mul3A_656 : vector<1x128xf32>
    %convert_element_type3A_658 = arith.fptosi %add3A_657 : vector<1x128xf32> to vector<1x128xi32>
    %swap3A_659 = arith.constant 13 : index
    %swap3A_660 = arith.constant 0 : index
    %swap3A_661 = vector.load %arg3[%swap3A_659, %swap3A_660] : memref<16x128xi32, #tpu.memory_space<vmem>>, vector<1x128xi32>
    tpu.vector_store %arg3[%swap3A_659, %swap3A_660], %convert_element_type3A_658 {strides = array<i32>} : memref<16x128xi32, #tpu.memory_space<vmem>>, vector<1x128xi32>,
    %mul3A_662 = arith.mulf %slice3A_633, %add3A_639 : vector<128x64xf32>
    %reduce_sum3A_663 = arith.constant dense<0.000000e+00> : vector<128xf32>
    %reduce_sum3A_664 = vector.multi_reduction <add>, %mul3A_662, %reduce_sum3A_663 [1] : vector<128x64xf32> to vector<128xf32>
    %broadcast_in_dim3A_665 = vector.shape_cast %reduce_sum3A_664 : vector<128xf32> to vector<128x1xf32>
    %slice3A_666 = vector.extract_strided_slice %exp3A {offsets = [1664, 0], sizes = [128, 64], strides = [1, 1]} : vector<2048x64xf32> to vector<128x64xf32>
    %dot_general3A_667 = arith.constant dense<0.000000e+00> : vector<1x128xf32>
    %dot_general3A_668 = tpu.matmul %broadcast_in_dim3A_37, %slice3A_666, %dot_general3A_667 {dimension_numbers = #tpu.dot_dimension_numbers<[1], [1], [0], [0], [0, 0, 1, 0], [], []>, transpose_lhs_hint = false} : vector<1x64xf32>, vector<128x64xf32>, vector<1x128xf32> -> vector<1x128xf32>
    %div3A_669 = arith.constant 1.000000e+00 : f32
    %div3A_670 = vector.broadcast %div3A_669 : f32 to vector<1x128xf32>
    %div3A_671 = arith.divf %div3A_670, %dot_general3A_668 : vector<1x128xf32>
    %swap3A_672 = arith.constant 13 : index
    %swap3A_673 = arith.constant 0 : index
    %swap3A_674 = vector.load %arg4[%swap3A_672, %swap3A_673] : memref<16x128xf32, #tpu.memory_space<vmem>>, vector<1x128xf32>
    tpu.vector_store %arg4[%swap3A_672, %swap3A_673], %div3A_671 {strides = array<i32>} : memref<16x128xf32, #tpu.memory_space<vmem>>, vector<1x128xf32>,
    %reduce_sum3A_675 = arith.constant dense<0.000000e+00> : vector<64xf32>
    %reduce_sum3A_676 = vector.multi_reduction <add>, %slice3A_633, %reduce_sum3A_675 [0] : vector<128x64xf32> to vector<64xf32>
    %broadcast_in_dim3A_677 = vector.shape_cast %reduce_sum3A_676 : vector<64xf32> to vector<1x64xf32>
    %add3A_678 = arith.addf %add3A_632, %broadcast_in_dim3A_677 : vector<1x64xf32>
    %slice3A_679 = vector.extract_strided_slice %convert_element_type3A_18 {offsets = [1792, 0], sizes = [128, 64], strides = [1, 1]} : vector<2048x64xf32> to vector<128x64xf32>
    %dot_general3A_680 = arith.constant dense<0.000000e+00> : vector<128x64xf32>
    %dot_general3A_681 = tpu.matmul %convert_element_type3A_35, %slice3A_679, %dot_general3A_680 {dimension_numbers = #tpu.dot_dimension_numbers<[1], [0], [0], [1], [0, 0, 1, 1], [], []>, transpose_lhs_hint = false} : vector<128x128xf32>, vector<128x64xf32>, vector<128x64xf32> -> vector<128x64xf32>
    %add3A_682 = vector.broadcast %add3A_678 : vector<1x64xf32> to vector<128x64xf32>
    %add3A_683 = arith.addf %dot_general3A_681, %add3A_682 : vector<128x64xf32>
    %add3A_684 = vector.broadcast %broadcast_in_dim3A_30 : vector<1x64xf32> to vector<128x64xf32>
    %add3A_685 = arith.addf %add3A_684, %add3A_683 : vector<128x64xf32>
    %mul3A_686 = arith.constant 7.812500e-03 : f32
    %mul3A_687 = vector.broadcast %mul3A_686 : f32 to vector<128x64xf32>
    %mul3A_688 = arith.mulf %add3A_685, %mul3A_687 : vector<128x64xf32>
    %floor3A_689 = math.floor %mul3A_688 : vector<128x64xf32>
    %mul3A_690 = arith.constant 1.280000e+02 : f32
    %mul3A_691 = vector.broadcast %mul3A_690 : f32 to vector<128x64xf32>
    %mul3A_692 = arith.mulf %floor3A_689, %mul3A_691 : vector<128x64xf32>
    %sub3A_693 = arith.subf %add3A_685, %mul3A_692 : vector<128x64xf32>
    %mul3A_694 = arith.mulf %slice3A_679, %sub3A_693 : vector<128x64xf32>
    %dot_general3A_695 = arith.constant dense<0.000000e+00> : vector<1x128xf32>
    %dot_general3A_696 = tpu.matmul %broadcast_in_dim3A_37, %mul3A_694, %dot_general3A_695 {dimension_numbers = #tpu.dot_dimension_numbers<[1], [1], [0], [0], [0, 0, 1, 0], [], []>, transpose_lhs_hint = false} : vector<1x64xf32>, vector<128x64xf32>, vector<1x128xf32> -> vector<1x128xf32>
    %mul3A_697 = arith.mulf %slice3A_679, %floor3A_689 : vector<128x64xf32>
    %dot_general3A_698 = arith.constant dense<0.000000e+00> : vector<1x128xf32>
    %dot_general3A_699 = tpu.matmul %broadcast_in_dim3A_37, %mul3A_697, %dot_general3A_698 {dimension_numbers = #tpu.dot_dimension_numbers<[1], [1], [0], [0], [0, 0, 1, 0], [], []>, transpose_lhs_hint = false} : vector<1x64xf32>, vector<128x64xf32>, vector<1x128xf32> -> vector<1x128xf32>
    %mul3A_700 = arith.constant 1.280000e+02 : f32
    %mul3A_701 = vector.broadcast %mul3A_700 : f32 to vector<1x128xf32>
    %mul3A_702 = arith.mulf %dot_general3A_699, %mul3A_701 : vector<1x128xf32>
    %add3A_703 = arith.addf %dot_general3A_696, %mul3A_702 : vector<1x128xf32>
    %convert_element_type3A_704 = arith.fptosi %add3A_703 : vector<1x128xf32> to vector<1x128xi32>
    %swap3A_705 = arith.constant 14 : index
    %swap3A_706 = arith.constant 0 : index
    %swap3A_707 = vector.load %arg3[%swap3A_705, %swap3A_706] : memref<16x128xi32, #tpu.memory_space<vmem>>, vector<1x128xi32>
    tpu.vector_store %arg3[%swap3A_705, %swap3A_706], %convert_element_type3A_704 {strides = array<i32>} : memref<16x128xi32, #tpu.memory_space<vmem>>, vector<1x128xi32>,
    %mul3A_708 = arith.mulf %slice3A_679, %add3A_685 : vector<128x64xf32>
    %reduce_sum3A_709 = arith.constant dense<0.000000e+00> : vector<128xf32>
    %reduce_sum3A_710 = vector.multi_reduction <add>, %mul3A_708, %reduce_sum3A_709 [1] : vector<128x64xf32> to vector<128xf32>
    %broadcast_in_dim3A_711 = vector.shape_cast %reduce_sum3A_710 : vector<128xf32> to vector<128x1xf32>
    %slice3A_712 = vector.extract_strided_slice %exp3A {offsets = [1792, 0], sizes = [128, 64], strides = [1, 1]} : vector<2048x64xf32> to vector<128x64xf32>
    %dot_general3A_713 = arith.constant dense<0.000000e+00> : vector<1x128xf32>
    %dot_general3A_714 = tpu.matmul %broadcast_in_dim3A_37, %slice3A_712, %dot_general3A_713 {dimension_numbers = #tpu.dot_dimension_numbers<[1], [1], [0], [0], [0, 0, 1, 0], [], []>, transpose_lhs_hint = false} : vector<1x64xf32>, vector<128x64xf32>, vector<1x128xf32> -> vector<1x128xf32>
    %div3A_715 = arith.constant 1.000000e+00 : f32
    %div3A_716 = vector.broadcast %div3A_715 : f32 to vector<1x128xf32>
    %div3A_717 = arith.divf %div3A_716, %dot_general3A_714 : vector<1x128xf32>
    %swap3A_718 = arith.constant 14 : index
    %swap3A_719 = arith.constant 0 : index
    %swap3A_720 = vector.load %arg4[%swap3A_718, %swap3A_719] : memref<16x128xf32, #tpu.memory_space<vmem>>, vector<1x128xf32>
    tpu.vector_store %arg4[%swap3A_718, %swap3A_719], %div3A_717 {strides = array<i32>} : memref<16x128xf32, #tpu.memory_space<vmem>>, vector<1x128xf32>,
    %reduce_sum3A_721 = arith.constant dense<0.000000e+00> : vector<64xf32>
    %reduce_sum3A_722 = vector.multi_reduction <add>, %slice3A_679, %reduce_sum3A_721 [0] : vector<128x64xf32> to vector<64xf32>
    %broadcast_in_dim3A_723 = vector.shape_cast %reduce_sum3A_722 : vector<64xf32> to vector<1x64xf32>
    %add3A_724 = arith.addf %add3A_678, %broadcast_in_dim3A_723 : vector<1x64xf32>
    %slice3A_725 = vector.extract_strided_slice %convert_element_type3A_18 {offsets = [1920, 0], sizes = [128, 64], strides = [1, 1]} : vector<2048x64xf32> to vector<128x64xf32>
    %dot_general3A_726 = arith.constant dense<0.000000e+00> : vector<128x64xf32>
    %dot_general3A_727 = tpu.matmul %convert_element_type3A_35, %slice3A_725, %dot_general3A_726 {dimension_numbers = #tpu.dot_dimension_numbers<[1], [0], [0], [1], [0, 0, 1, 1], [], []>, transpose_lhs_hint = false} : vector<128x128xf32>, vector<128x64xf32>, vector<128x64xf32> -> vector<128x64xf32>
    %add3A_728 = vector.broadcast %add3A_724 : vector<1x64xf32> to vector<128x64xf32>
    %add3A_729 = arith.addf %dot_general3A_727, %add3A_728 : vector<128x64xf32>
    %add3A_730 = vector.broadcast %broadcast_in_dim3A_30 : vector<1x64xf32> to vector<128x64xf32>
    %add3A_731 = arith.addf %add3A_730, %add3A_729 : vector<128x64xf32>
    %mul3A_732 = arith.constant 7.812500e-03 : f32
    %mul3A_733 = vector.broadcast %mul3A_732 : f32 to vector<128x64xf32>
    %mul3A_734 = arith.mulf %add3A_731, %mul3A_733 : vector<128x64xf32>
    %floor3A_735 = math.floor %mul3A_734 : vector<128x64xf32>
    %mul3A_736 = arith.constant 1.280000e+02 : f32
    %mul3A_737 = vector.broadcast %mul3A_736 : f32 to vector<128x64xf32>
    %mul3A_738 = arith.mulf %floor3A_735, %mul3A_737 : vector<128x64xf32>
    %sub3A_739 = arith.subf %add3A_731, %mul3A_738 : vector<128x64xf32>
    %mul3A_740 = arith.mulf %slice3A_725, %sub3A_739 : vector<128x64xf32>
    %dot_general3A_741 = arith.constant dense<0.000000e+00> : vector<1x128xf32>
    %dot_general3A_742 = tpu.matmul %broadcast_in_dim3A_37, %mul3A_740, %dot_general3A_741 {dimension_numbers = #tpu.dot_dimension_numbers<[1], [1], [0], [0], [0, 0, 1, 0], [], []>, transpose_lhs_hint = false} : vector<1x64xf32>, vector<128x64xf32>, vector<1x128xf32> -> vector<1x128xf32>
    %mul3A_743 = arith.mulf %slice3A_725, %floor3A_735 : vector<128x64xf32>
    %dot_general3A_744 = arith.constant dense<0.000000e+00> : vector<1x128xf32>
    %dot_general3A_745 = tpu.matmul %broadcast_in_dim3A_37, %mul3A_743, %dot_general3A_744 {dimension_numbers = #tpu.dot_dimension_numbers<[1], [1], [0], [0], [0, 0, 1, 0], [], []>, transpose_lhs_hint = false} : vector<1x64xf32>, vector<128x64xf32>, vector<1x128xf32> -> vector<1x128xf32>
    %mul3A_746 = arith.constant 1.280000e+02 : f32
    %mul3A_747 = vector.broadcast %mul3A_746 : f32 to vector<1x128xf32>
    %mul3A_748 = arith.mulf %dot_general3A_745, %mul3A_747 : vector<1x128xf32>
    %add3A_749 = arith.addf %dot_general3A_742, %mul3A_748 : vector<1x128xf32>
    %convert_element_type3A_750 = arith.fptosi %add3A_749 : vector<1x128xf32> to vector<1x128xi32>
    %swap3A_751 = arith.constant 15 : index
    %swap3A_752 = arith.constant 0 : index
    %swap3A_753 = vector.load %arg3[%swap3A_751, %swap3A_752] : memref<16x128xi32, #tpu.memory_space<vmem>>, vector<1x128xi32>
    tpu.vector_store %arg3[%swap3A_751, %swap3A_752], %convert_element_type3A_750 {strides = array<i32>} : memref<16x128xi32, #tpu.memory_space<vmem>>, vector<1x128xi32>,
    %mul3A_754 = arith.mulf %slice3A_725, %add3A_731 : vector<128x64xf32>
    %reduce_sum3A_755 = arith.constant dense<0.000000e+00> : vector<128xf32>
    %reduce_sum3A_756 = vector.multi_reduction <add>, %mul3A_754, %reduce_sum3A_755 [1] : vector<128x64xf32> to vector<128xf32>
    %broadcast_in_dim3A_757 = vector.shape_cast %reduce_sum3A_756 : vector<128xf32> to vector<128x1xf32>
    %slice3A_758 = vector.extract_strided_slice %exp3A {offsets = [1920, 0], sizes = [128, 64], strides = [1, 1]} : vector<2048x64xf32> to vector<128x64xf32>
    %dot_general3A_759 = arith.constant dense<0.000000e+00> : vector<1x128xf32>
    %dot_general3A_760 = tpu.matmul %broadcast_in_dim3A_37, %slice3A_758, %dot_general3A_759 {dimension_numbers = #tpu.dot_dimension_numbers<[1], [1], [0], [0], [0, 0, 1, 0], [], []>, transpose_lhs_hint = false} : vector<1x64xf32>, vector<128x64xf32>, vector<1x128xf32> -> vector<1x128xf32>
    %div3A_761 = arith.constant 1.000000e+00 : f32
    %div3A_762 = vector.broadcast %div3A_761 : f32 to vector<1x128xf32>
    %div3A_763 = arith.divf %div3A_762, %dot_general3A_760 : vector<1x128xf32>
    %swap3A_764 = arith.constant 15 : index
    %swap3A_765 = arith.constant 0 : index
    %swap3A_766 = vector.load %arg4[%swap3A_764, %swap3A_765] : memref<16x128xf32, #tpu.memory_space<vmem>>, vector<1x128xf32>
    tpu.vector_store %arg4[%swap3A_764, %swap3A_765], %div3A_763 {strides = array<i32>} : memref<16x128xf32, #tpu.memory_space<vmem>>, vector<1x128xf32>,
    %add3A_767 = arith.addf %broadcast_in_dim3A_30, %broadcast_in_dim3A_20 : vector<1x64xf32>
    %mul3A_768 = arith.constant 7.812500e-03 : f32
    %mul3A_769 = vector.broadcast %mul3A_768 : f32 to vector<1x64xf32>
    %mul3A_770 = arith.mulf %broadcast_in_dim3A_30, %mul3A_769 : vector<1x64xf32>
    %floor3A_771 = math.floor %mul3A_770 : vector<1x64xf32>
    %sub3A_772 = arith.constant 1.000000e+00 : f32
    %sub3A_773 = vector.broadcast %sub3A_772 : f32 to vector<1x64xf32>
    %sub3A_774 = arith.subf %add3A_767, %sub3A_773 : vector<1x64xf32>
    %mul3A_775 = arith.constant 7.812500e-03 : f32
    %mul3A_776 = vector.broadcast %mul3A_775 : f32 to vector<1x64xf32>
    %mul3A_777 = arith.mulf %sub3A_774, %mul3A_776 : vector<1x64xf32>
    %floor3A_778 = math.floor %mul3A_777 : vector<1x64xf32>
    %gt3A = arith.constant 0.000000e+00 : f32
    %gt3A_779 = vector.broadcast %gt3A : f32 to vector<1x64xf32>
    %gt3A_780 = arith.cmpf ogt, %broadcast_in_dim3A_20, %gt3A_779 : vector<1x64xf32>
    %sub3A_781 = arith.subf %floor3A_778, %floor3A_771 : vector<1x64xf32>
    %add3A_782 = arith.constant 1.000000e+00 : f32
    %add3A_783 = vector.broadcast %add3A_782 : f32 to vector<1x64xf32>
    %add3A_784 = arith.addf %sub3A_781, %add3A_783 : vector<1x64xf32>
    %jit3A_785 = arith.constant 0.000000e+00 : f32
    %broadcast_in_dim3A_786 = vector.broadcast %jit3A_785 : f32 to vector<1x64xf32>
    %select_n3A_787 = arith.select %gt3A_780, %add3A_784, %broadcast_in_dim3A_786 : vector<1x64xi1>, vector<1x64xf32>
    %reshape3A_788 = vector.shape_cast %select_n3A_787 : vector<1x64xf32> to vector<64x1xf32>
    %broadcast_in_dim3A_789 = vector.shape_cast %reshape3A_788 : vector<64x1xf32> to vector<64x1xf32>
    %broadcast_in_dim3A_790 = vector.broadcast %broadcast_in_dim3A_789 : vector<64x1xf32> to vector<64x64xf32>
    %jit3A_791 = arith.constant 0.000000e+00 : f32
    %broadcast_in_dim3A_792 = vector.broadcast %jit3A_791 : f32 to vector<64x64xf32>
    %select_n3A_793 = arith.select %lt3A, %broadcast_in_dim3A_790, %broadcast_in_dim3A_792 : vector<64x64xi1>, vector<64x64xf32>
    %reduce_sum3A_794 = arith.constant dense<0.000000e+00> : vector<64xf32>
    %reduce_sum3A_795 = vector.multi_reduction <add>, %select_n3A_793, %reduce_sum3A_794 [0] : vector<64x64xf32> to vector<64xf32>
    %broadcast_in_dim3A_796 = vector.shape_cast %reduce_sum3A_795 : vector<64xf32> to vector<1x64xf32>
    %jit3A_797 = arith.constant 1.000000e+06 : f32
    %broadcast_in_dim3A_798 = vector.broadcast %jit3A_797 : f32 to vector<1x64xf32>
    %select_n3A_799 = arith.select %gt3A_780, %broadcast_in_dim3A_796, %broadcast_in_dim3A_798 : vector<1x64xi1>, vector<1x64xf32>
    %iota3A_800 = tpu.iota {dimensions = array<i32: 0>} : vector<80x1xi32>
    %convert_element_type3A_801 = arith.sitofp %iota3A_800 : vector<80x1xi32> to vector<80x1xf32>
    %broadcast_in_dim3A_802 = vector.shape_cast %select_n3A_799 : vector<1x64xf32> to vector<1x64xf32>
    %broadcast_in_dim3A_803 = vector.broadcast %broadcast_in_dim3A_802 : vector<1x64xf32> to vector<80x64xf32>
    %le3A = vector.broadcast %convert_element_type3A_801 : vector<80x1xf32> to vector<80x64xf32>
    %le3A_804 = arith.cmpf ole, %broadcast_in_dim3A_803, %le3A : vector<80x64xf32>
    %convert_element_type3A_805 = arith.extui %le3A_804 : vector<80x64xi1> to vector<80x64xi32>
    %convert_element_type3A_806 = arith.sitofp %convert_element_type3A_805 : vector<80x64xi32> to vector<80x64xf32>
    %reduce_sum3A_807 = arith.constant dense<0.000000e+00> : vector<80xf32>
    %reduce_sum3A_808 = vector.multi_reduction <add>, %convert_element_type3A_806, %reduce_sum3A_807 [1] : vector<80x64xf32> to vector<80xf32>
    %broadcast_in_dim3A_809 = vector.shape_cast %reduce_sum3A_808 : vector<80xf32> to vector<80x1xf32>
    %sub3A_810 = arith.constant 1.000000e+00 : f32
    %sub3A_811 = vector.broadcast %sub3A_810 : f32 to vector<80x1xf32>
    %sub3A_812 = arith.subf %broadcast_in_dim3A_809, %sub3A_811 : vector<80x1xf32>
    %iota3A_813 = tpu.iota {dimensions = array<i32: 1>} : vector<80x64xi32>
    %convert_element_type3A_814 = arith.sitofp %iota3A_813 : vector<80x64xi32> to vector<80x64xf32>
    %eq3A_815 = vector.broadcast %sub3A_812 : vector<80x1xf32> to vector<80x64xf32>
    %eq3A_816 = arith.cmpf oeq, %convert_element_type3A_814, %eq3A_815 : vector<80x64xf32>
    %broadcast_in_dim3A_817 = vector.shape_cast %broadcast_in_dim3A_796 : vector<1x64xf32> to vector<1x64xf32>
    %broadcast_in_dim3A_818 = vector.broadcast %broadcast_in_dim3A_817 : vector<1x64xf32> to vector<80x64xf32>
    %jit3A_819 = arith.constant 0.000000e+00 : f32
    %broadcast_in_dim3A_820 = vector.broadcast %jit3A_819 : f32 to vector<80x64xf32>
    %select_n3A_821 = arith.select %eq3A_816, %broadcast_in_dim3A_818, %broadcast_in_dim3A_820 : vector<80x64xi1>, vector<80x64xf32>
    %reduce_sum3A_822 = arith.constant dense<0.000000e+00> : vector<80xf32>
    %reduce_sum3A_823 = vector.multi_reduction <add>, %select_n3A_821, %reduce_sum3A_822 [1] : vector<80x64xf32> to vector<80xf32>
    %broadcast_in_dim3A_824 = vector.shape_cast %reduce_sum3A_823 : vector<80xf32> to vector<80x1xf32>
    %broadcast_in_dim3A_825 = vector.shape_cast %select_n3A_787 : vector<1x64xf32> to vector<1x64xf32>
    %broadcast_in_dim3A_826 = vector.broadcast %broadcast_in_dim3A_825 : vector<1x64xf32> to vector<80x64xf32>
    %jit3A_827 = arith.constant 0.000000e+00 : f32
    %broadcast_in_dim3A_828 = vector.broadcast %jit3A_827 : f32 to vector<80x64xf32>
    %select_n3A_829 = arith.select %eq3A_816, %broadcast_in_dim3A_826, %broadcast_in_dim3A_828 : vector<80x64xi1>, vector<80x64xf32>
    %reduce_sum3A_830 = arith.constant dense<0.000000e+00> : vector<80xf32>
    %reduce_sum3A_831 = vector.multi_reduction <add>, %select_n3A_829, %reduce_sum3A_830 [1] : vector<80x64xf32> to vector<80xf32>
    %broadcast_in_dim3A_832 = vector.shape_cast %reduce_sum3A_831 : vector<80xf32> to vector<80x1xf32>
    %broadcast_in_dim3A_833 = vector.shape_cast %floor3A_771 : vector<1x64xf32> to vector<1x64xf32>
    %broadcast_in_dim3A_834 = vector.broadcast %broadcast_in_dim3A_833 : vector<1x64xf32> to vector<80x64xf32>
    %jit3A_835 = arith.constant 0.000000e+00 : f32
    %broadcast_in_dim3A_836 = vector.broadcast %jit3A_835 : f32 to vector<80x64xf32>
    %select_n3A_837 = arith.select %eq3A_816, %broadcast_in_dim3A_834, %broadcast_in_dim3A_836 : vector<80x64xi1>, vector<80x64xf32>
    %reduce_sum3A_838 = arith.constant dense<0.000000e+00> : vector<80xf32>
    %reduce_sum3A_839 = vector.multi_reduction <add>, %select_n3A_837, %reduce_sum3A_838 [1] : vector<80x64xf32> to vector<80xf32>
    %broadcast_in_dim3A_840 = vector.shape_cast %reduce_sum3A_839 : vector<80xf32> to vector<80x1xf32>
    %broadcast_in_dim3A_841 = vector.shape_cast %broadcast_in_dim3A_30 : vector<1x64xf32> to vector<1x64xf32>
    %broadcast_in_dim3A_842 = vector.broadcast %broadcast_in_dim3A_841 : vector<1x64xf32> to vector<80x64xf32>
    %jit3A_843 = arith.constant 0.000000e+00 : f32
    %broadcast_in_dim3A_844 = vector.broadcast %jit3A_843 : f32 to vector<80x64xf32>
    %select_n3A_845 = arith.select %eq3A_816, %broadcast_in_dim3A_842, %broadcast_in_dim3A_844 : vector<80x64xi1>, vector<80x64xf32>
    %reduce_sum3A_846 = arith.constant dense<0.000000e+00> : vector<80xf32>
    %reduce_sum3A_847 = vector.multi_reduction <add>, %select_n3A_845, %reduce_sum3A_846 [1] : vector<80x64xf32> to vector<80xf32>
    %broadcast_in_dim3A_848 = vector.shape_cast %reduce_sum3A_847 : vector<80xf32> to vector<80x1xf32>
    %broadcast_in_dim3A_849 = vector.shape_cast %add3A_767 : vector<1x64xf32> to vector<1x64xf32>
    %broadcast_in_dim3A_850 = vector.broadcast %broadcast_in_dim3A_849 : vector<1x64xf32> to vector<80x64xf32>
    %jit3A_851 = arith.constant 0.000000e+00 : f32
    %broadcast_in_dim3A_852 = vector.broadcast %jit3A_851 : f32 to vector<80x64xf32>
    %select_n3A_853 = arith.select %eq3A_816, %broadcast_in_dim3A_850, %broadcast_in_dim3A_852 : vector<80x64xi1>, vector<80x64xf32>
    %reduce_sum3A_854 = arith.constant dense<0.000000e+00> : vector<80xf32>
    %reduce_sum3A_855 = vector.multi_reduction <add>, %select_n3A_853, %reduce_sum3A_854 [1] : vector<80x64xf32> to vector<80xf32>
    %broadcast_in_dim3A_856 = vector.shape_cast %reduce_sum3A_855 : vector<80xf32> to vector<80x1xf32>
    %sub3A_857 = arith.subf %convert_element_type3A_801, %broadcast_in_dim3A_824 : vector<80x1xf32>
    %lt3A_858 = arith.cmpf olt, %sub3A_857, %broadcast_in_dim3A_832 : vector<80x1xf32>
    %add3A_859 = arith.addf %broadcast_in_dim3A_840, %sub3A_857 : vector<80x1xf32>
    %jit3A_860 = arith.constant 1.500000e+01 : f32
    %broadcast_in_dim3A_861 = vector.broadcast %jit3A_860 : f32 to vector<80x1xf32>
    %select_n3A_862 = arith.select %lt3A_858, %add3A_859, %broadcast_in_dim3A_861 : vector<80x1xi1>, vector<80x1xf32>
    %mul3A_863 = arith.constant 1.280000e+02 : f32
    %mul3A_864 = vector.broadcast %mul3A_863 : f32 to vector<80x1xf32>
    %mul3A_865 = arith.mulf %select_n3A_862, %mul3A_864 : vector<80x1xf32>
    %max3A = arith.maximumf %broadcast_in_dim3A_848, %mul3A_865 : vector<80x1xf32>
    %jit3A_866 = arith.constant 0.000000e+00 : f32
    %broadcast_in_dim3A_867 = vector.broadcast %jit3A_866 : f32 to vector<80x1xf32>
    %select_n3A_868 = arith.select %lt3A_858, %max3A, %broadcast_in_dim3A_867 : vector<80x1xi1>, vector<80x1xf32>
    %add3A_869 = arith.constant 1.000000e+00 : f32
    %add3A_870 = vector.broadcast %add3A_869 : f32 to vector<80x1xf32>
    %add3A_871 = arith.addf %select_n3A_862, %add3A_870 : vector<80x1xf32>
    %mul3A_872 = arith.constant 1.280000e+02 : f32
    %mul3A_873 = vector.broadcast %mul3A_872 : f32 to vector<80x1xf32>
    %mul3A_874 = arith.mulf %add3A_871, %mul3A_873 : vector<80x1xf32>
    %min3A = arith.minimumf %broadcast_in_dim3A_856, %mul3A_874 : vector<80x1xf32>
    %jit3A_875 = arith.constant 0.000000e+00 : f32
    %broadcast_in_dim3A_876 = vector.broadcast %jit3A_875 : f32 to vector<80x1xf32>
    %select_n3A_877 = arith.select %lt3A_858, %min3A, %broadcast_in_dim3A_876 : vector<80x1xi1>, vector<80x1xf32>
    %concatenate3A = tpu.concatenate %select_n3A_862, %sub3A_812, %select_n3A_868, %select_n3A_877 in 1 : vector<80x1xf32>, vector<80x1xf32>, vector<80x1xf32>, vector<80x1xf32> -> vector<80x4xf32>
    %convert_element_type3A_878 = arith.fptosi %concatenate3A : vector<80x4xf32> to vector<80x4xi32>
    %swap3A_879 = arith.constant 0 : index
    %swap3A_880 = arith.constant 0 : index
    %swap3A_881 = vector.load %arg5[%swap3A_879, %swap3A_880] : memref<80x4xi32, #tpu.memory_space<vmem>>, vector<80x4xi32>
    tpu.vector_store %arg5[%swap3A_879, %swap3A_880], %convert_element_type3A_878 {strides = array<i32>} : memref<80x4xi32, #tpu.memory_space<vmem>>, vector<80x4xi32>,
    %concatenate3A_882 = tpu.concatenate %broadcast_in_dim3A_68, %broadcast_in_dim3A_113, %broadcast_in_dim3A_159, %broadcast_in_dim3A_205, %broadcast_in_dim3A_251, %broadcast_in_dim3A_297, %broadcast_in_dim3A_343, %broadcast_in_dim3A_389, %broadcast_in_dim3A_435, %broadcast_in_dim3A_481, %broadcast_in_dim3A_527, %broadcast_in_dim3A_573, %broadcast_in_dim3A_619, %broadcast_in_dim3A_665, %broadcast_in_dim3A_711, %broadcast_in_dim3A_757 in 0 : vector<128x1xf32>, vector<128x1xf32>, vector<128x1xf32>, vector<128x1xf32>, vector<128x1xf32>, vector<128x1xf32>, vector<128x1xf32>, vector<128x1xf32>, vector<128x1xf32>, vector<128x1xf32>, vector<128x1xf32>, vector<128x1xf32>, vector<128x1xf32>, vector<128x1xf32>, vector<128x1xf32>, vector<128x1xf32> -> vector<2048x1xf32>
    %iota3A_883 = tpu.iota {dimensions = array<i32: 0>} : vector<2048x1xi32>
    %jit3A_884 = arith.constant 128 : i32
    %eq3A_885 = arith.constant 0 : i32
    %eq3A_886 = arith.cmpi eq, %jit3A_884, %eq3A_885 : i32
    %jit3A_887 = arith.constant 1 : i32
    %select_n3A_888 = arith.select %eq3A_886, %jit3A_887, %jit3A_884 : i32
    %rem3A = vector.broadcast %select_n3A_888 : i32 to vector<2048x1xi32>
    %rem3A_889 = arith.remsi %iota3A_883, %rem3A : vector<2048x1xi32>
    %ne3A = arith.constant 0 : i32
    %ne3A_890 = vector.broadcast %ne3A : i32 to vector<2048x1xi32>
    %ne3A_891 = arith.cmpi ne, %rem3A_889, %ne3A_890 : vector<2048x1xi32>
    %lt3A_892 = arith.constant 0 : i32
    %lt3A_893 = vector.broadcast %lt3A_892 : i32 to vector<2048x1xi32>
    %lt3A_894 = arith.cmpi slt, %rem3A_889, %lt3A_893 : vector<2048x1xi32>
    %lt3A_895 = arith.constant 0 : i32
    %lt3A_896 = arith.cmpi slt, %select_n3A_888, %lt3A_895 : i32
    %ne3A_897 = vector.broadcast %lt3A_896 : i1 to vector<2048x1xi1>
    %ne3A_898 = vector.broadcast %ne3A_897 : vector<2048x1xi1> to vector<2048x1xi1>
    %ne3A_899 = arith.xori %lt3A_894, %ne3A_898 : vector<2048x1xi1>
    %and3A = arith.andi %ne3A_899, %ne3A_891 : vector<2048x1xi1>
    %add3A_900 = vector.broadcast %select_n3A_888 : i32 to vector<2048x1xi32>
    %add3A_901 = arith.addi %rem3A_889, %add3A_900 : vector<2048x1xi32>
    %select_n3A_902 = arith.select %and3A, %add3A_901, %rem3A_889 : vector<2048x1xi1>, vector<2048x1xi32>
    %convert_element_type3A_903 = arith.sitofp %select_n3A_902 : vector<2048x1xi32> to vector<2048x1xf32>
    %jit3A_904 = arith.constant 128 : i32
    %div3A_905 = vector.broadcast %jit3A_904 : i32 to vector<2048x1xi32>
    %div3A_906 = arith.divsi %iota3A_883, %div3A_905 : vector<2048x1xi32>
    %sign3A = arith.constant 0 : i32
    %sign3A_907 = vector.broadcast %sign3A : i32 to vector<2048x1xi32>
    %sign3A_908 = arith.cmpi sgt, %iota3A_883, %sign3A_907 : vector<2048x1xi32>
    %sign3A_909 = arith.extui %sign3A_908 : vector<2048x1xi1> to vector<2048x1xi32>
    %sign3A_910 = arith.constant 0 : i32
    %sign3A_911 = vector.broadcast %sign3A_910 : i32 to vector<2048x1xi32>
    %sign3A_912 = arith.cmpi slt, %iota3A_883, %sign3A_911 : vector<2048x1xi32>
    %sign3A_913 = arith.extui %sign3A_912 : vector<2048x1xi1> to vector<2048x1xi32>
    %sign3A_914 = arith.subi %sign3A_909, %sign3A_913 : vector<2048x1xi32>
    %sign3A_915 = arith.constant 0 : i32
    %sign3A_916 = arith.cmpi sgt, %jit3A_904, %sign3A_915 : i32
    %sign3A_917 = arith.extui %sign3A_916 : i1 to i32
    %sign3A_918 = arith.constant 0 : i32
    %sign3A_919 = arith.cmpi slt, %jit3A_904, %sign3A_918 : i32
    %sign3A_920 = arith.extui %sign3A_919 : i1 to i32
    %sign3A_921 = arith.subi %sign3A_917, %sign3A_920 : i32
    %ne3A_922 = vector.broadcast %sign3A_921 : i32 to vector<2048x1xi32>
    %ne3A_923 = arith.cmpi ne, %sign3A_914, %ne3A_922 : vector<2048x1xi32>
    %rem3A_924 = vector.broadcast %jit3A_904 : i32 to vector<2048x1xi32>
    %rem3A_925 = arith.remsi %iota3A_883, %rem3A_924 : vector<2048x1xi32>
    %ne3A_926 = arith.constant 0 : i32
    %ne3A_927 = vector.broadcast %ne3A_926 : i32 to vector<2048x1xi32>
    %ne3A_928 = arith.cmpi ne, %rem3A_925, %ne3A_927 : vector<2048x1xi32>
    %and3A_929 = arith.andi %ne3A_923, %ne3A_928 : vector<2048x1xi1>
    %sub3A_930 = arith.constant 1 : i32
    %sub3A_931 = vector.broadcast %sub3A_930 : i32 to vector<2048x1xi32>
    %sub3A_932 = arith.subi %div3A_906, %sub3A_931 : vector<2048x1xi32>
    %select_n3A_933 = arith.select %and3A_929, %sub3A_932, %div3A_906 : vector<2048x1xi1>, vector<2048x1xi32>
    %convert_element_type3A_934 = arith.sitofp %select_n3A_933 : vector<2048x1xi32> to vector<2048x1xf32>
    %concatenate3A_935 = tpu.concatenate %convert_element_type3A_903, %convert_element_type3A_934 in 1 : vector<2048x1xf32>, vector<2048x1xf32> -> vector<2048x2xf32>
    %iota3A_936 = tpu.iota {dimensions = array<i32: 1>} : vector<1x128xi32>
    %convert_element_type3A_937 = arith.sitofp %iota3A_936 : vector<1x128xi32> to vector<1x128xf32>
    %add3A_938 = arith.constant 0.000000e+00 : f32
    %add3A_939 = vector.broadcast %add3A_938 : f32 to vector<1x128xf32>
    %add3A_940 = arith.addf %convert_element_type3A_937, %add3A_939 : vector<1x128xf32>
    %eq3A_941 = vector.broadcast %concatenate3A_882 : vector<2048x1xf32> to vector<2048x128xf32>
    %eq3A_942 = vector.broadcast %add3A_940 : vector<1x128xf32> to vector<2048x128xf32>
    %eq3A_943 = arith.cmpf oeq, %eq3A_941, %eq3A_942 : vector<2048x128xf32>
    %convert_element_type3A_944 = arith.extui %eq3A_943 : vector<2048x128xi1> to vector<2048x128xi32>
    %convert_element_type3A_945 = arith.sitofp %convert_element_type3A_944 : vector<2048x128xi32> to vector<2048x128xf32>
    %dot_general3A_946 = arith.constant dense<0.000000e+00> : vector<2x128xf32>
    %dot_general3A_947 = tpu.matmul %concatenate3A_935, %convert_element_type3A_945, %dot_general3A_946 {dimension_numbers = #tpu.dot_dimension_numbers<[0], [0], [1], [1], [0, 1, 1, 1], [], []>, transpose_lhs_hint = false} : vector<2048x2xf32>, vector<2048x128xf32>, vector<2x128xf32> -> vector<2x128xf32>
    %slice3A_948 = vector.extract_strided_slice %dot_general3A_947 {offsets = [0, 0], sizes = [1, 128], strides = [1, 1]} : vector<2x128xf32> to vector<1x128xf32>
    %slice3A_949 = vector.extract_strided_slice %dot_general3A_947 {offsets = [1, 0], sizes = [1, 128], strides = [1, 1]} : vector<2x128xf32> to vector<1x128xf32>
    %mul3A_950 = arith.constant 1.280000e+02 : f32
    %mul3A_951 = vector.broadcast %mul3A_950 : f32 to vector<1x128xf32>
    %mul3A_952 = arith.mulf %slice3A_949, %mul3A_951 : vector<1x128xf32>
    %add3A_953 = arith.addf %slice3A_948, %mul3A_952 : vector<1x128xf32>
    %convert_element_type3A_954 = arith.fptosi %add3A_953 : vector<1x128xf32> to vector<1x128xi32>
    %swap3A_955 = arith.constant 0 : index
    %swap3A_956 = arith.constant 0 : index
    %swap3A_957 = vector.load %arg6[%swap3A_955, %swap3A_956] : memref<16x128xi32, #tpu.memory_space<vmem>>, vector<1x128xi32>
    tpu.vector_store %arg6[%swap3A_955, %swap3A_956], %convert_element_type3A_954 {strides = array<i32>} : memref<16x128xi32, #tpu.memory_space<vmem>>, vector<1x128xi32>,
    %add3A_958 = arith.constant 1.280000e+02 : f32
    %add3A_959 = vector.broadcast %add3A_958 : f32 to vector<1x128xf32>
    %add3A_960 = arith.addf %convert_element_type3A_937, %add3A_959 : vector<1x128xf32>
    %eq3A_961 = vector.broadcast %concatenate3A_882 : vector<2048x1xf32> to vector<2048x128xf32>
    %eq3A_962 = vector.broadcast %add3A_960 : vector<1x128xf32> to vector<2048x128xf32>
    %eq3A_963 = arith.cmpf oeq, %eq3A_961, %eq3A_962 : vector<2048x128xf32>
    %convert_element_type3A_964 = arith.extui %eq3A_963 : vector<2048x128xi1> to vector<2048x128xi32>
    %convert_element_type3A_965 = arith.sitofp %convert_element_type3A_964 : vector<2048x128xi32> to vector<2048x128xf32>
    %dot_general3A_966 = arith.constant dense<0.000000e+00> : vector<2x128xf32>
    %dot_general3A_967 = tpu.matmul %concatenate3A_935, %convert_element_type3A_965, %dot_general3A_966 {dimension_numbers = #tpu.dot_dimension_numbers<[0], [0], [1], [1], [0, 1, 1, 1], [], []>, transpose_lhs_hint = false} : vector<2048x2xf32>, vector<2048x128xf32>, vector<2x128xf32> -> vector<2x128xf32>
    %slice3A_968 = vector.extract_strided_slice %dot_general3A_967 {offsets = [0, 0], sizes = [1, 128], strides = [1, 1]} : vector<2x128xf32> to vector<1x128xf32>
    %slice3A_969 = vector.extract_strided_slice %dot_general3A_967 {offsets = [1, 0], sizes = [1, 128], strides = [1, 1]} : vector<2x128xf32> to vector<1x128xf32>
    %mul3A_970 = arith.constant 1.280000e+02 : f32
    %mul3A_971 = vector.broadcast %mul3A_970 : f32 to vector<1x128xf32>
    %mul3A_972 = arith.mulf %slice3A_969, %mul3A_971 : vector<1x128xf32>
    %add3A_973 = arith.addf %slice3A_968, %mul3A_972 : vector<1x128xf32>
    %convert_element_type3A_974 = arith.fptosi %add3A_973 : vector<1x128xf32> to vector<1x128xi32>
    %swap3A_975 = arith.constant 1 : index
    %swap3A_976 = arith.constant 0 : index
    %swap3A_977 = vector.load %arg6[%swap3A_975, %swap3A_976] : memref<16x128xi32, #tpu.memory_space<vmem>>, vector<1x128xi32>
    tpu.vector_store %arg6[%swap3A_975, %swap3A_976], %convert_element_type3A_974 {strides = array<i32>} : memref<16x128xi32, #tpu.memory_space<vmem>>, vector<1x128xi32>,
    %add3A_978 = arith.constant 2.560000e+02 : f32
    %add3A_979 = vector.broadcast %add3A_978 : f32 to vector<1x128xf32>
    %add3A_980 = arith.addf %convert_element_type3A_937, %add3A_979 : vector<1x128xf32>
    %eq3A_981 = vector.broadcast %concatenate3A_882 : vector<2048x1xf32> to vector<2048x128xf32>
    %eq3A_982 = vector.broadcast %add3A_980 : vector<1x128xf32> to vector<2048x128xf32>
    %eq3A_983 = arith.cmpf oeq, %eq3A_981, %eq3A_982 : vector<2048x128xf32>
    %convert_element_type3A_984 = arith.extui %eq3A_983 : vector<2048x128xi1> to vector<2048x128xi32>
    %convert_element_type3A_985 = arith.sitofp %convert_element_type3A_984 : vector<2048x128xi32> to vector<2048x128xf32>
    %dot_general3A_986 = arith.constant dense<0.000000e+00> : vector<2x128xf32>
    %dot_general3A_987 = tpu.matmul %concatenate3A_935, %convert_element_type3A_985, %dot_general3A_986 {dimension_numbers = #tpu.dot_dimension_numbers<[0], [0], [1], [1], [0, 1, 1, 1], [], []>, transpose_lhs_hint = false} : vector<2048x2xf32>, vector<2048x128xf32>, vector<2x128xf32> -> vector<2x128xf32>
    %slice3A_988 = vector.extract_strided_slice %dot_general3A_987 {offsets = [0, 0], sizes = [1, 128], strides = [1, 1]} : vector<2x128xf32> to vector<1x128xf32>
    %slice3A_989 = vector.extract_strided_slice %dot_general3A_987 {offsets = [1, 0], sizes = [1, 128], strides = [1, 1]} : vector<2x128xf32> to vector<1x128xf32>
    %mul3A_990 = arith.constant 1.280000e+02 : f32
    %mul3A_991 = vector.broadcast %mul3A_990 : f32 to vector<1x128xf32>
    %mul3A_992 = arith.mulf %slice3A_989, %mul3A_991 : vector<1x128xf32>
    %add3A_993 = arith.addf %slice3A_988, %mul3A_992 : vector<1x128xf32>
    %convert_element_type3A_994 = arith.fptosi %add3A_993 : vector<1x128xf32> to vector<1x128xi32>
    %swap3A_995 = arith.constant 2 : index
    %swap3A_996 = arith.constant 0 : index
    %swap3A_997 = vector.load %arg6[%swap3A_995, %swap3A_996] : memref<16x128xi32, #tpu.memory_space<vmem>>, vector<1x128xi32>
    tpu.vector_store %arg6[%swap3A_995, %swap3A_996], %convert_element_type3A_994 {strides = array<i32>} : memref<16x128xi32, #tpu.memory_space<vmem>>, vector<1x128xi32>,
    %add3A_998 = arith.constant 3.840000e+02 : f32
    %add3A_999 = vector.broadcast %add3A_998 : f32 to vector<1x128xf32>
    %add3A_1000 = arith.addf %convert_element_type3A_937, %add3A_999 : vector<1x128xf32>
    %eq3A_1001 = vector.broadcast %concatenate3A_882 : vector<2048x1xf32> to vector<2048x128xf32>
    %eq3A_1002 = vector.broadcast %add3A_1000 : vector<1x128xf32> to vector<2048x128xf32>
    %eq3A_1003 = arith.cmpf oeq, %eq3A_1001, %eq3A_1002 : vector<2048x128xf32>
    %convert_element_type3A_1004 = arith.extui %eq3A_1003 : vector<2048x128xi1> to vector<2048x128xi32>
    %convert_element_type3A_1005 = arith.sitofp %convert_element_type3A_1004 : vector<2048x128xi32> to vector<2048x128xf32>
    %dot_general3A_1006 = arith.constant dense<0.000000e+00> : vector<2x128xf32>
    %dot_general3A_1007 = tpu.matmul %concatenate3A_935, %convert_element_type3A_1005, %dot_general3A_1006 {dimension_numbers = #tpu.dot_dimension_numbers<[0], [0], [1], [1], [0, 1, 1, 1], [], []>, transpose_lhs_hint = false} : vector<2048x2xf32>, vector<2048x128xf32>, vector<2x128xf32> -> vector<2x128xf32>
    %slice3A_1008 = vector.extract_strided_slice %dot_general3A_1007 {offsets = [0, 0], sizes = [1, 128], strides = [1, 1]} : vector<2x128xf32> to vector<1x128xf32>
    %slice3A_1009 = vector.extract_strided_slice %dot_general3A_1007 {offsets = [1, 0], sizes = [1, 128], strides = [1, 1]} : vector<2x128xf32> to vector<1x128xf32>
    %mul3A_1010 = arith.constant 1.280000e+02 : f32
    %mul3A_1011 = vector.broadcast %mul3A_1010 : f32 to vector<1x128xf32>
    %mul3A_1012 = arith.mulf %slice3A_1009, %mul3A_1011 : vector<1x128xf32>
    %add3A_1013 = arith.addf %slice3A_1008, %mul3A_1012 : vector<1x128xf32>
    %convert_element_type3A_1014 = arith.fptosi %add3A_1013 : vector<1x128xf32> to vector<1x128xi32>
    %swap3A_1015 = arith.constant 3 : index
    %swap3A_1016 = arith.constant 0 : index
    %swap3A_1017 = vector.load %arg6[%swap3A_1015, %swap3A_1016] : memref<16x128xi32, #tpu.memory_space<vmem>>, vector<1x128xi32>
    tpu.vector_store %arg6[%swap3A_1015, %swap3A_1016], %convert_element_type3A_1014 {strides = array<i32>} : memref<16x128xi32, #tpu.memory_space<vmem>>, vector<1x128xi32>,
    %add3A_1018 = arith.constant 5.120000e+02 : f32
    %add3A_1019 = vector.broadcast %add3A_1018 : f32 to vector<1x128xf32>
    %add3A_1020 = arith.addf %convert_element_type3A_937, %add3A_1019 : vector<1x128xf32>
    %eq3A_1021 = vector.broadcast %concatenate3A_882 : vector<2048x1xf32> to vector<2048x128xf32>
    %eq3A_1022 = vector.broadcast %add3A_1020 : vector<1x128xf32> to vector<2048x128xf32>
    %eq3A_1023 = arith.cmpf oeq, %eq3A_1021, %eq3A_1022 : vector<2048x128xf32>
    %convert_element_type3A_1024 = arith.extui %eq3A_1023 : vector<2048x128xi1> to vector<2048x128xi32>
    %convert_element_type3A_1025 = arith.sitofp %convert_element_type3A_1024 : vector<2048x128xi32> to vector<2048x128xf32>
    %dot_general3A_1026 = arith.constant dense<0.000000e+00> : vector<2x128xf32>
    %dot_general3A_1027 = tpu.matmul %concatenate3A_935, %convert_element_type3A_1025, %dot_general3A_1026 {dimension_numbers = #tpu.dot_dimension_numbers<[0], [0], [1], [1], [0, 1, 1, 1], [], []>, transpose_lhs_hint = false} : vector<2048x2xf32>, vector<2048x128xf32>, vector<2x128xf32> -> vector<2x128xf32>
    %slice3A_1028 = vector.extract_strided_slice %dot_general3A_1027 {offsets = [0, 0], sizes = [1, 128], strides = [1, 1]} : vector<2x128xf32> to vector<1x128xf32>
    %slice3A_1029 = vector.extract_strided_slice %dot_general3A_1027 {offsets = [1, 0], sizes = [1, 128], strides = [1, 1]} : vector<2x128xf32> to vector<1x128xf32>
    %mul3A_1030 = arith.constant 1.280000e+02 : f32
    %mul3A_1031 = vector.broadcast %mul3A_1030 : f32 to vector<1x128xf32>
    %mul3A_1032 = arith.mulf %slice3A_1029, %mul3A_1031 : vector<1x128xf32>
    %add3A_1033 = arith.addf %slice3A_1028, %mul3A_1032 : vector<1x128xf32>
    %convert_element_type3A_1034 = arith.fptosi %add3A_1033 : vector<1x128xf32> to vector<1x128xi32>
    %swap3A_1035 = arith.constant 4 : index
    %swap3A_1036 = arith.constant 0 : index
    %swap3A_1037 = vector.load %arg6[%swap3A_1035, %swap3A_1036] : memref<16x128xi32, #tpu.memory_space<vmem>>, vector<1x128xi32>
    tpu.vector_store %arg6[%swap3A_1035, %swap3A_1036], %convert_element_type3A_1034 {strides = array<i32>} : memref<16x128xi32, #tpu.memory_space<vmem>>, vector<1x128xi32>,
    %add3A_1038 = arith.constant 6.400000e+02 : f32
    %add3A_1039 = vector.broadcast %add3A_1038 : f32 to vector<1x128xf32>
    %add3A_1040 = arith.addf %convert_element_type3A_937, %add3A_1039 : vector<1x128xf32>
    %eq3A_1041 = vector.broadcast %concatenate3A_882 : vector<2048x1xf32> to vector<2048x128xf32>
    %eq3A_1042 = vector.broadcast %add3A_1040 : vector<1x128xf32> to vector<2048x128xf32>
    %eq3A_1043 = arith.cmpf oeq, %eq3A_1041, %eq3A_1042 : vector<2048x128xf32>
    %convert_element_type3A_1044 = arith.extui %eq3A_1043 : vector<2048x128xi1> to vector<2048x128xi32>
    %convert_element_type3A_1045 = arith.sitofp %convert_element_type3A_1044 : vector<2048x128xi32> to vector<2048x128xf32>
    %dot_general3A_1046 = arith.constant dense<0.000000e+00> : vector<2x128xf32>
    %dot_general3A_1047 = tpu.matmul %concatenate3A_935, %convert_element_type3A_1045, %dot_general3A_1046 {dimension_numbers = #tpu.dot_dimension_numbers<[0], [0], [1], [1], [0, 1, 1, 1], [], []>, transpose_lhs_hint = false} : vector<2048x2xf32>, vector<2048x128xf32>, vector<2x128xf32> -> vector<2x128xf32>
    %slice3A_1048 = vector.extract_strided_slice %dot_general3A_1047 {offsets = [0, 0], sizes = [1, 128], strides = [1, 1]} : vector<2x128xf32> to vector<1x128xf32>
    %slice3A_1049 = vector.extract_strided_slice %dot_general3A_1047 {offsets = [1, 0], sizes = [1, 128], strides = [1, 1]} : vector<2x128xf32> to vector<1x128xf32>
    %mul3A_1050 = arith.constant 1.280000e+02 : f32
    %mul3A_1051 = vector.broadcast %mul3A_1050 : f32 to vector<1x128xf32>
    %mul3A_1052 = arith.mulf %slice3A_1049, %mul3A_1051 : vector<1x128xf32>
    %add3A_1053 = arith.addf %slice3A_1048, %mul3A_1052 : vector<1x128xf32>
    %convert_element_type3A_1054 = arith.fptosi %add3A_1053 : vector<1x128xf32> to vector<1x128xi32>
    %swap3A_1055 = arith.constant 5 : index
    %swap3A_1056 = arith.constant 0 : index
    %swap3A_1057 = vector.load %arg6[%swap3A_1055, %swap3A_1056] : memref<16x128xi32, #tpu.memory_space<vmem>>, vector<1x128xi32>
    tpu.vector_store %arg6[%swap3A_1055, %swap3A_1056], %convert_element_type3A_1054 {strides = array<i32>} : memref<16x128xi32, #tpu.memory_space<vmem>>, vector<1x128xi32>,
    %add3A_1058 = arith.constant 7.680000e+02 : f32
    %add3A_1059 = vector.broadcast %add3A_1058 : f32 to vector<1x128xf32>
    %add3A_1060 = arith.addf %convert_element_type3A_937, %add3A_1059 : vector<1x128xf32>
    %eq3A_1061 = vector.broadcast %concatenate3A_882 : vector<2048x1xf32> to vector<2048x128xf32>
    %eq3A_1062 = vector.broadcast %add3A_1060 : vector<1x128xf32> to vector<2048x128xf32>
    %eq3A_1063 = arith.cmpf oeq, %eq3A_1061, %eq3A_1062 : vector<2048x128xf32>
    %convert_element_type3A_1064 = arith.extui %eq3A_1063 : vector<2048x128xi1> to vector<2048x128xi32>
    %convert_element_type3A_1065 = arith.sitofp %convert_element_type3A_1064 : vector<2048x128xi32> to vector<2048x128xf32>
    %dot_general3A_1066 = arith.constant dense<0.000000e+00> : vector<2x128xf32>
    %dot_general3A_1067 = tpu.matmul %concatenate3A_935, %convert_element_type3A_1065, %dot_general3A_1066 {dimension_numbers = #tpu.dot_dimension_numbers<[0], [0], [1], [1], [0, 1, 1, 1], [], []>, transpose_lhs_hint = false} : vector<2048x2xf32>, vector<2048x128xf32>, vector<2x128xf32> -> vector<2x128xf32>
    %slice3A_1068 = vector.extract_strided_slice %dot_general3A_1067 {offsets = [0, 0], sizes = [1, 128], strides = [1, 1]} : vector<2x128xf32> to vector<1x128xf32>
    %slice3A_1069 = vector.extract_strided_slice %dot_general3A_1067 {offsets = [1, 0], sizes = [1, 128], strides = [1, 1]} : vector<2x128xf32> to vector<1x128xf32>
    %mul3A_1070 = arith.constant 1.280000e+02 : f32
    %mul3A_1071 = vector.broadcast %mul3A_1070 : f32 to vector<1x128xf32>
    %mul3A_1072 = arith.mulf %slice3A_1069, %mul3A_1071 : vector<1x128xf32>
    %add3A_1073 = arith.addf %slice3A_1068, %mul3A_1072 : vector<1x128xf32>
    %convert_element_type3A_1074 = arith.fptosi %add3A_1073 : vector<1x128xf32> to vector<1x128xi32>
    %swap3A_1075 = arith.constant 6 : index
    %swap3A_1076 = arith.constant 0 : index
    %swap3A_1077 = vector.load %arg6[%swap3A_1075, %swap3A_1076] : memref<16x128xi32, #tpu.memory_space<vmem>>, vector<1x128xi32>
    tpu.vector_store %arg6[%swap3A_1075, %swap3A_1076], %convert_element_type3A_1074 {strides = array<i32>} : memref<16x128xi32, #tpu.memory_space<vmem>>, vector<1x128xi32>,
    %add3A_1078 = arith.constant 8.960000e+02 : f32
    %add3A_1079 = vector.broadcast %add3A_1078 : f32 to vector<1x128xf32>
    %add3A_1080 = arith.addf %convert_element_type3A_937, %add3A_1079 : vector<1x128xf32>
    %eq3A_1081 = vector.broadcast %concatenate3A_882 : vector<2048x1xf32> to vector<2048x128xf32>
    %eq3A_1082 = vector.broadcast %add3A_1080 : vector<1x128xf32> to vector<2048x128xf32>
    %eq3A_1083 = arith.cmpf oeq, %eq3A_1081, %eq3A_1082 : vector<2048x128xf32>
    %convert_element_type3A_1084 = arith.extui %eq3A_1083 : vector<2048x128xi1> to vector<2048x128xi32>
    %convert_element_type3A_1085 = arith.sitofp %convert_element_type3A_1084 : vector<2048x128xi32> to vector<2048x128xf32>
    %dot_general3A_1086 = arith.constant dense<0.000000e+00> : vector<2x128xf32>
    %dot_general3A_1087 = tpu.matmul %concatenate3A_935, %convert_element_type3A_1085, %dot_general3A_1086 {dimension_numbers = #tpu.dot_dimension_numbers<[0], [0], [1], [1], [0, 1, 1, 1], [], []>, transpose_lhs_hint = false} : vector<2048x2xf32>, vector<2048x128xf32>, vector<2x128xf32> -> vector<2x128xf32>
    %slice3A_1088 = vector.extract_strided_slice %dot_general3A_1087 {offsets = [0, 0], sizes = [1, 128], strides = [1, 1]} : vector<2x128xf32> to vector<1x128xf32>
    %slice3A_1089 = vector.extract_strided_slice %dot_general3A_1087 {offsets = [1, 0], sizes = [1, 128], strides = [1, 1]} : vector<2x128xf32> to vector<1x128xf32>
    %mul3A_1090 = arith.constant 1.280000e+02 : f32
    %mul3A_1091 = vector.broadcast %mul3A_1090 : f32 to vector<1x128xf32>
    %mul3A_1092 = arith.mulf %slice3A_1089, %mul3A_1091 : vector<1x128xf32>
    %add3A_1093 = arith.addf %slice3A_1088, %mul3A_1092 : vector<1x128xf32>
    %convert_element_type3A_1094 = arith.fptosi %add3A_1093 : vector<1x128xf32> to vector<1x128xi32>
    %swap3A_1095 = arith.constant 7 : index
    %swap3A_1096 = arith.constant 0 : index
    %swap3A_1097 = vector.load %arg6[%swap3A_1095, %swap3A_1096] : memref<16x128xi32, #tpu.memory_space<vmem>>, vector<1x128xi32>
    tpu.vector_store %arg6[%swap3A_1095, %swap3A_1096], %convert_element_type3A_1094 {strides = array<i32>} : memref<16x128xi32, #tpu.memory_space<vmem>>, vector<1x128xi32>,
    %add3A_1098 = arith.constant 1.024000e+03 : f32
    %add3A_1099 = vector.broadcast %add3A_1098 : f32 to vector<1x128xf32>
    %add3A_1100 = arith.addf %convert_element_type3A_937, %add3A_1099 : vector<1x128xf32>
    %eq3A_1101 = vector.broadcast %concatenate3A_882 : vector<2048x1xf32> to vector<2048x128xf32>
    %eq3A_1102 = vector.broadcast %add3A_1100 : vector<1x128xf32> to vector<2048x128xf32>
    %eq3A_1103 = arith.cmpf oeq, %eq3A_1101, %eq3A_1102 : vector<2048x128xf32>
    %convert_element_type3A_1104 = arith.extui %eq3A_1103 : vector<2048x128xi1> to vector<2048x128xi32>
    %convert_element_type3A_1105 = arith.sitofp %convert_element_type3A_1104 : vector<2048x128xi32> to vector<2048x128xf32>
    %dot_general3A_1106 = arith.constant dense<0.000000e+00> : vector<2x128xf32>
    %dot_general3A_1107 = tpu.matmul %concatenate3A_935, %convert_element_type3A_1105, %dot_general3A_1106 {dimension_numbers = #tpu.dot_dimension_numbers<[0], [0], [1], [1], [0, 1, 1, 1], [], []>, transpose_lhs_hint = false} : vector<2048x2xf32>, vector<2048x128xf32>, vector<2x128xf32> -> vector<2x128xf32>
    %slice3A_1108 = vector.extract_strided_slice %dot_general3A_1107 {offsets = [0, 0], sizes = [1, 128], strides = [1, 1]} : vector<2x128xf32> to vector<1x128xf32>
    %slice3A_1109 = vector.extract_strided_slice %dot_general3A_1107 {offsets = [1, 0], sizes = [1, 128], strides = [1, 1]} : vector<2x128xf32> to vector<1x128xf32>
    %mul3A_1110 = arith.constant 1.280000e+02 : f32
    %mul3A_1111 = vector.broadcast %mul3A_1110 : f32 to vector<1x128xf32>
    %mul3A_1112 = arith.mulf %slice3A_1109, %mul3A_1111 : vector<1x128xf32>
    %add3A_1113 = arith.addf %slice3A_1108, %mul3A_1112 : vector<1x128xf32>
    %convert_element_type3A_1114 = arith.fptosi %add3A_1113 : vector<1x128xf32> to vector<1x128xi32>
    %swap3A_1115 = arith.constant 8 : index
    %swap3A_1116 = arith.constant 0 : index
    %swap3A_1117 = vector.load %arg6[%swap3A_1115, %swap3A_1116] : memref<16x128xi32, #tpu.memory_space<vmem>>, vector<1x128xi32>
    tpu.vector_store %arg6[%swap3A_1115, %swap3A_1116], %convert_element_type3A_1114 {strides = array<i32>} : memref<16x128xi32, #tpu.memory_space<vmem>>, vector<1x128xi32>,
    %add3A_1118 = arith.constant 1.152000e+03 : f32
    %add3A_1119 = vector.broadcast %add3A_1118 : f32 to vector<1x128xf32>
    %add3A_1120 = arith.addf %convert_element_type3A_937, %add3A_1119 : vector<1x128xf32>
    %eq3A_1121 = vector.broadcast %concatenate3A_882 : vector<2048x1xf32> to vector<2048x128xf32>
    %eq3A_1122 = vector.broadcast %add3A_1120 : vector<1x128xf32> to vector<2048x128xf32>
    %eq3A_1123 = arith.cmpf oeq, %eq3A_1121, %eq3A_1122 : vector<2048x128xf32>
    %convert_element_type3A_1124 = arith.extui %eq3A_1123 : vector<2048x128xi1> to vector<2048x128xi32>
    %convert_element_type3A_1125 = arith.sitofp %convert_element_type3A_1124 : vector<2048x128xi32> to vector<2048x128xf32>
    %dot_general3A_1126 = arith.constant dense<0.000000e+00> : vector<2x128xf32>
    %dot_general3A_1127 = tpu.matmul %concatenate3A_935, %convert_element_type3A_1125, %dot_general3A_1126 {dimension_numbers = #tpu.dot_dimension_numbers<[0], [0], [1], [1], [0, 1, 1, 1], [], []>, transpose_lhs_hint = false} : vector<2048x2xf32>, vector<2048x128xf32>, vector<2x128xf32> -> vector<2x128xf32>
    %slice3A_1128 = vector.extract_strided_slice %dot_general3A_1127 {offsets = [0, 0], sizes = [1, 128], strides = [1, 1]} : vector<2x128xf32> to vector<1x128xf32>
    %slice3A_1129 = vector.extract_strided_slice %dot_general3A_1127 {offsets = [1, 0], sizes = [1, 128], strides = [1, 1]} : vector<2x128xf32> to vector<1x128xf32>
    %mul3A_1130 = arith.constant 1.280000e+02 : f32
    %mul3A_1131 = vector.broadcast %mul3A_1130 : f32 to vector<1x128xf32>
    %mul3A_1132 = arith.mulf %slice3A_1129, %mul3A_1131 : vector<1x128xf32>
    %add3A_1133 = arith.addf %slice3A_1128, %mul3A_1132 : vector<1x128xf32>
    %convert_element_type3A_1134 = arith.fptosi %add3A_1133 : vector<1x128xf32> to vector<1x128xi32>
    %swap3A_1135 = arith.constant 9 : index
    %swap3A_1136 = arith.constant 0 : index
    %swap3A_1137 = vector.load %arg6[%swap3A_1135, %swap3A_1136] : memref<16x128xi32, #tpu.memory_space<vmem>>, vector<1x128xi32>
    tpu.vector_store %arg6[%swap3A_1135, %swap3A_1136], %convert_element_type3A_1134 {strides = array<i32>} : memref<16x128xi32, #tpu.memory_space<vmem>>, vector<1x128xi32>,
    %add3A_1138 = arith.constant 1.280000e+03 : f32
    %add3A_1139 = vector.broadcast %add3A_1138 : f32 to vector<1x128xf32>
    %add3A_1140 = arith.addf %convert_element_type3A_937, %add3A_1139 : vector<1x128xf32>
    %eq3A_1141 = vector.broadcast %concatenate3A_882 : vector<2048x1xf32> to vector<2048x128xf32>
    %eq3A_1142 = vector.broadcast %add3A_1140 : vector<1x128xf32> to vector<2048x128xf32>
    %eq3A_1143 = arith.cmpf oeq, %eq3A_1141, %eq3A_1142 : vector<2048x128xf32>
    %convert_element_type3A_1144 = arith.extui %eq3A_1143 : vector<2048x128xi1> to vector<2048x128xi32>
    %convert_element_type3A_1145 = arith.sitofp %convert_element_type3A_1144 : vector<2048x128xi32> to vector<2048x128xf32>
    %dot_general3A_1146 = arith.constant dense<0.000000e+00> : vector<2x128xf32>
    %dot_general3A_1147 = tpu.matmul %concatenate3A_935, %convert_element_type3A_1145, %dot_general3A_1146 {dimension_numbers = #tpu.dot_dimension_numbers<[0], [0], [1], [1], [0, 1, 1, 1], [], []>, transpose_lhs_hint = false} : vector<2048x2xf32>, vector<2048x128xf32>, vector<2x128xf32> -> vector<2x128xf32>
    %slice3A_1148 = vector.extract_strided_slice %dot_general3A_1147 {offsets = [0, 0], sizes = [1, 128], strides = [1, 1]} : vector<2x128xf32> to vector<1x128xf32>
    %slice3A_1149 = vector.extract_strided_slice %dot_general3A_1147 {offsets = [1, 0], sizes = [1, 128], strides = [1, 1]} : vector<2x128xf32> to vector<1x128xf32>
    %mul3A_1150 = arith.constant 1.280000e+02 : f32
    %mul3A_1151 = vector.broadcast %mul3A_1150 : f32 to vector<1x128xf32>
    %mul3A_1152 = arith.mulf %slice3A_1149, %mul3A_1151 : vector<1x128xf32>
    %add3A_1153 = arith.addf %slice3A_1148, %mul3A_1152 : vector<1x128xf32>
    %convert_element_type3A_1154 = arith.fptosi %add3A_1153 : vector<1x128xf32> to vector<1x128xi32>
    %swap3A_1155 = arith.constant 10 : index
    %swap3A_1156 = arith.constant 0 : index
    %swap3A_1157 = vector.load %arg6[%swap3A_1155, %swap3A_1156] : memref<16x128xi32, #tpu.memory_space<vmem>>, vector<1x128xi32>
    tpu.vector_store %arg6[%swap3A_1155, %swap3A_1156], %convert_element_type3A_1154 {strides = array<i32>} : memref<16x128xi32, #tpu.memory_space<vmem>>, vector<1x128xi32>,
    %add3A_1158 = arith.constant 1.408000e+03 : f32
    %add3A_1159 = vector.broadcast %add3A_1158 : f32 to vector<1x128xf32>
    %add3A_1160 = arith.addf %convert_element_type3A_937, %add3A_1159 : vector<1x128xf32>
    %eq3A_1161 = vector.broadcast %concatenate3A_882 : vector<2048x1xf32> to vector<2048x128xf32>
    %eq3A_1162 = vector.broadcast %add3A_1160 : vector<1x128xf32> to vector<2048x128xf32>
    %eq3A_1163 = arith.cmpf oeq, %eq3A_1161, %eq3A_1162 : vector<2048x128xf32>
    %convert_element_type3A_1164 = arith.extui %eq3A_1163 : vector<2048x128xi1> to vector<2048x128xi32>
    %convert_element_type3A_1165 = arith.sitofp %convert_element_type3A_1164 : vector<2048x128xi32> to vector<2048x128xf32>
    %dot_general3A_1166 = arith.constant dense<0.000000e+00> : vector<2x128xf32>
    %dot_general3A_1167 = tpu.matmul %concatenate3A_935, %convert_element_type3A_1165, %dot_general3A_1166 {dimension_numbers = #tpu.dot_dimension_numbers<[0], [0], [1], [1], [0, 1, 1, 1], [], []>, transpose_lhs_hint = false} : vector<2048x2xf32>, vector<2048x128xf32>, vector<2x128xf32> -> vector<2x128xf32>
    %slice3A_1168 = vector.extract_strided_slice %dot_general3A_1167 {offsets = [0, 0], sizes = [1, 128], strides = [1, 1]} : vector<2x128xf32> to vector<1x128xf32>
    %slice3A_1169 = vector.extract_strided_slice %dot_general3A_1167 {offsets = [1, 0], sizes = [1, 128], strides = [1, 1]} : vector<2x128xf32> to vector<1x128xf32>
    %mul3A_1170 = arith.constant 1.280000e+02 : f32
    %mul3A_1171 = vector.broadcast %mul3A_1170 : f32 to vector<1x128xf32>
    %mul3A_1172 = arith.mulf %slice3A_1169, %mul3A_1171 : vector<1x128xf32>
    %add3A_1173 = arith.addf %slice3A_1168, %mul3A_1172 : vector<1x128xf32>
    %convert_element_type3A_1174 = arith.fptosi %add3A_1173 : vector<1x128xf32> to vector<1x128xi32>
    %swap3A_1175 = arith.constant 11 : index
    %swap3A_1176 = arith.constant 0 : index
    %swap3A_1177 = vector.load %arg6[%swap3A_1175, %swap3A_1176] : memref<16x128xi32, #tpu.memory_space<vmem>>, vector<1x128xi32>
    tpu.vector_store %arg6[%swap3A_1175, %swap3A_1176], %convert_element_type3A_1174 {strides = array<i32>} : memref<16x128xi32, #tpu.memory_space<vmem>>, vector<1x128xi32>,
    %add3A_1178 = arith.constant 1.536000e+03 : f32
    %add3A_1179 = vector.broadcast %add3A_1178 : f32 to vector<1x128xf32>
    %add3A_1180 = arith.addf %convert_element_type3A_937, %add3A_1179 : vector<1x128xf32>
    %eq3A_1181 = vector.broadcast %concatenate3A_882 : vector<2048x1xf32> to vector<2048x128xf32>
    %eq3A_1182 = vector.broadcast %add3A_1180 : vector<1x128xf32> to vector<2048x128xf32>
    %eq3A_1183 = arith.cmpf oeq, %eq3A_1181, %eq3A_1182 : vector<2048x128xf32>
    %convert_element_type3A_1184 = arith.extui %eq3A_1183 : vector<2048x128xi1> to vector<2048x128xi32>
    %convert_element_type3A_1185 = arith.sitofp %convert_element_type3A_1184 : vector<2048x128xi32> to vector<2048x128xf32>
    %dot_general3A_1186 = arith.constant dense<0.000000e+00> : vector<2x128xf32>
    %dot_general3A_1187 = tpu.matmul %concatenate3A_935, %convert_element_type3A_1185, %dot_general3A_1186 {dimension_numbers = #tpu.dot_dimension_numbers<[0], [0], [1], [1], [0, 1, 1, 1], [], []>, transpose_lhs_hint = false} : vector<2048x2xf32>, vector<2048x128xf32>, vector<2x128xf32> -> vector<2x128xf32>
    %slice3A_1188 = vector.extract_strided_slice %dot_general3A_1187 {offsets = [0, 0], sizes = [1, 128], strides = [1, 1]} : vector<2x128xf32> to vector<1x128xf32>
    %slice3A_1189 = vector.extract_strided_slice %dot_general3A_1187 {offsets = [1, 0], sizes = [1, 128], strides = [1, 1]} : vector<2x128xf32> to vector<1x128xf32>
    %mul3A_1190 = arith.constant 1.280000e+02 : f32
    %mul3A_1191 = vector.broadcast %mul3A_1190 : f32 to vector<1x128xf32>
    %mul3A_1192 = arith.mulf %slice3A_1189, %mul3A_1191 : vector<1x128xf32>
    %add3A_1193 = arith.addf %slice3A_1188, %mul3A_1192 : vector<1x128xf32>
    %convert_element_type3A_1194 = arith.fptosi %add3A_1193 : vector<1x128xf32> to vector<1x128xi32>
    %swap3A_1195 = arith.constant 12 : index
    %swap3A_1196 = arith.constant 0 : index
    %swap3A_1197 = vector.load %arg6[%swap3A_1195, %swap3A_1196] : memref<16x128xi32, #tpu.memory_space<vmem>>, vector<1x128xi32>
    tpu.vector_store %arg6[%swap3A_1195, %swap3A_1196], %convert_element_type3A_1194 {strides = array<i32>} : memref<16x128xi32, #tpu.memory_space<vmem>>, vector<1x128xi32>,
    %add3A_1198 = arith.constant 1.664000e+03 : f32
    %add3A_1199 = vector.broadcast %add3A_1198 : f32 to vector<1x128xf32>
    %add3A_1200 = arith.addf %convert_element_type3A_937, %add3A_1199 : vector<1x128xf32>
    %eq3A_1201 = vector.broadcast %concatenate3A_882 : vector<2048x1xf32> to vector<2048x128xf32>
    %eq3A_1202 = vector.broadcast %add3A_1200 : vector<1x128xf32> to vector<2048x128xf32>
    %eq3A_1203 = arith.cmpf oeq, %eq3A_1201, %eq3A_1202 : vector<2048x128xf32>
    %convert_element_type3A_1204 = arith.extui %eq3A_1203 : vector<2048x128xi1> to vector<2048x128xi32>
    %convert_element_type3A_1205 = arith.sitofp %convert_element_type3A_1204 : vector<2048x128xi32> to vector<2048x128xf32>
    %dot_general3A_1206 = arith.constant dense<0.000000e+00> : vector<2x128xf32>
    %dot_general3A_1207 = tpu.matmul %concatenate3A_935, %convert_element_type3A_1205, %dot_general3A_1206 {dimension_numbers = #tpu.dot_dimension_numbers<[0], [0], [1], [1], [0, 1, 1, 1], [], []>, transpose_lhs_hint = false} : vector<2048x2xf32>, vector<2048x128xf32>, vector<2x128xf32> -> vector<2x128xf32>
    %slice3A_1208 = vector.extract_strided_slice %dot_general3A_1207 {offsets = [0, 0], sizes = [1, 128], strides = [1, 1]} : vector<2x128xf32> to vector<1x128xf32>
    %slice3A_1209 = vector.extract_strided_slice %dot_general3A_1207 {offsets = [1, 0], sizes = [1, 128], strides = [1, 1]} : vector<2x128xf32> to vector<1x128xf32>
    %mul3A_1210 = arith.constant 1.280000e+02 : f32
    %mul3A_1211 = vector.broadcast %mul3A_1210 : f32 to vector<1x128xf32>
    %mul3A_1212 = arith.mulf %slice3A_1209, %mul3A_1211 : vector<1x128xf32>
    %add3A_1213 = arith.addf %slice3A_1208, %mul3A_1212 : vector<1x128xf32>
    %convert_element_type3A_1214 = arith.fptosi %add3A_1213 : vector<1x128xf32> to vector<1x128xi32>
    %swap3A_1215 = arith.constant 13 : index
    %swap3A_1216 = arith.constant 0 : index
    %swap3A_1217 = vector.load %arg6[%swap3A_1215, %swap3A_1216] : memref<16x128xi32, #tpu.memory_space<vmem>>, vector<1x128xi32>
    tpu.vector_store %arg6[%swap3A_1215, %swap3A_1216], %convert_element_type3A_1214 {strides = array<i32>} : memref<16x128xi32, #tpu.memory_space<vmem>>, vector<1x128xi32>,
    %add3A_1218 = arith.constant 1.792000e+03 : f32
    %add3A_1219 = vector.broadcast %add3A_1218 : f32 to vector<1x128xf32>
    %add3A_1220 = arith.addf %convert_element_type3A_937, %add3A_1219 : vector<1x128xf32>
    %eq3A_1221 = vector.broadcast %concatenate3A_882 : vector<2048x1xf32> to vector<2048x128xf32>
    %eq3A_1222 = vector.broadcast %add3A_1220 : vector<1x128xf32> to vector<2048x128xf32>
    %eq3A_1223 = arith.cmpf oeq, %eq3A_1221, %eq3A_1222 : vector<2048x128xf32>
    %convert_element_type3A_1224 = arith.extui %eq3A_1223 : vector<2048x128xi1> to vector<2048x128xi32>
    %convert_element_type3A_1225 = arith.sitofp %convert_element_type3A_1224 : vector<2048x128xi32> to vector<2048x128xf32>
    %dot_general3A_1226 = arith.constant dense<0.000000e+00> : vector<2x128xf32>
    %dot_general3A_1227 = tpu.matmul %concatenate3A_935, %convert_element_type3A_1225, %dot_general3A_1226 {dimension_numbers = #tpu.dot_dimension_numbers<[0], [0], [1], [1], [0, 1, 1, 1], [], []>, transpose_lhs_hint = false} : vector<2048x2xf32>, vector<2048x128xf32>, vector<2x128xf32> -> vector<2x128xf32>
    %slice3A_1228 = vector.extract_strided_slice %dot_general3A_1227 {offsets = [0, 0], sizes = [1, 128], strides = [1, 1]} : vector<2x128xf32> to vector<1x128xf32>
    %slice3A_1229 = vector.extract_strided_slice %dot_general3A_1227 {offsets = [1, 0], sizes = [1, 128], strides = [1, 1]} : vector<2x128xf32> to vector<1x128xf32>
    %mul3A_1230 = arith.constant 1.280000e+02 : f32
    %mul3A_1231 = vector.broadcast %mul3A_1230 : f32 to vector<1x128xf32>
    %mul3A_1232 = arith.mulf %slice3A_1229, %mul3A_1231 : vector<1x128xf32>
    %add3A_1233 = arith.addf %slice3A_1228, %mul3A_1232 : vector<1x128xf32>
    %convert_element_type3A_1234 = arith.fptosi %add3A_1233 : vector<1x128xf32> to vector<1x128xi32>
    %swap3A_1235 = arith.constant 14 : index
    %swap3A_1236 = arith.constant 0 : index
    %swap3A_1237 = vector.load %arg6[%swap3A_1235, %swap3A_1236] : memref<16x128xi32, #tpu.memory_space<vmem>>, vector<1x128xi32>
    tpu.vector_store %arg6[%swap3A_1235, %swap3A_1236], %convert_element_type3A_1234 {strides = array<i32>} : memref<16x128xi32, #tpu.memory_space<vmem>>, vector<1x128xi32>,
    %add3A_1238 = arith.constant 1.920000e+03 : f32
    %add3A_1239 = vector.broadcast %add3A_1238 : f32 to vector<1x128xf32>
    %add3A_1240 = arith.addf %convert_element_type3A_937, %add3A_1239 : vector<1x128xf32>
    %eq3A_1241 = vector.broadcast %concatenate3A_882 : vector<2048x1xf32> to vector<2048x128xf32>
    %eq3A_1242 = vector.broadcast %add3A_1240 : vector<1x128xf32> to vector<2048x128xf32>
    %eq3A_1243 = arith.cmpf oeq, %eq3A_1241, %eq3A_1242 : vector<2048x128xf32>
    %convert_element_type3A_1244 = arith.extui %eq3A_1243 : vector<2048x128xi1> to vector<2048x128xi32>
    %convert_element_type3A_1245 = arith.sitofp %convert_element_type3A_1244 : vector<2048x128xi32> to vector<2048x128xf32>
    %dot_general3A_1246 = arith.constant dense<0.000000e+00> : vector<2x128xf32>
    %dot_general3A_1247 = tpu.matmul %concatenate3A_935, %convert_element_type3A_1245, %dot_general3A_1246 {dimension_numbers = #tpu.dot_dimension_numbers<[0], [0], [1], [1], [0, 1, 1, 1], [], []>, transpose_lhs_hint = false} : vector<2048x2xf32>, vector<2048x128xf32>, vector<2x128xf32> -> vector<2x128xf32>
    %slice3A_1248 = vector.extract_strided_slice %dot_general3A_1247 {offsets = [0, 0], sizes = [1, 128], strides = [1, 1]} : vector<2x128xf32> to vector<1x128xf32>
    %slice3A_1249 = vector.extract_strided_slice %dot_general3A_1247 {offsets = [1, 0], sizes = [1, 128], strides = [1, 1]} : vector<2x128xf32> to vector<1x128xf32>
    %mul3A_1250 = arith.constant 1.280000e+02 : f32
    %mul3A_1251 = vector.broadcast %mul3A_1250 : f32 to vector<1x128xf32>
    %mul3A_1252 = arith.mulf %slice3A_1249, %mul3A_1251 : vector<1x128xf32>
    %add3A_1253 = arith.addf %slice3A_1248, %mul3A_1252 : vector<1x128xf32>
    %convert_element_type3A_1254 = arith.fptosi %add3A_1253 : vector<1x128xf32> to vector<1x128xi32>
    %swap3A_1255 = arith.constant 15 : index
    %swap3A_1256 = arith.constant 0 : index
    %swap3A_1257 = vector.load %arg6[%swap3A_1255, %swap3A_1256] : memref<16x128xi32, #tpu.memory_space<vmem>>, vector<1x128xi32>
    tpu.vector_store %arg6[%swap3A_1255, %swap3A_1256], %convert_element_type3A_1254 {strides = array<i32>} : memref<16x128xi32, #tpu.memory_space<vmem>>, vector<1x128xi32>,
    return
  }
}

</mosaic_0001>

<sc_bundles>
// kernel: kernel.6.cloned.1.call-start
scs
__scs_entry_jumppad:
0x0: {  	(pc) =	sbr.rel $0x88, $3  }
0x1: {  	(tag) =	ssettag $0x0;
	lr =	simm.s32 $0x1  }
0x2: {  	[smem:$0x3F9C] =	sst lr;
	_ =	strace $0xD0000000  }
0x3: {  	_ = 	snop  }
0x4: {  	_ = 	snop  }
0x5: {  	_ = 	snop  }
0x6: {  	_ = 	snop  }
0x7: {  	_ = 	snop  }
__scs_overlays_trampoline_lowered:
0x8: {  	[smem:$0x3FAB] =	sst s0  }
0x9: {  	[smem:$0x3FAC] =	sst s1  }
0xa: {  	[smem:$0x3FAD] =	sst s2  }
0xb: {  	[smem:$0x3FAE] =	sst s3  }
0xc: {  	[smem:$0x3FAF] =	sst s4  }
0xd: {  	[smem:$0x3FB0] =	sst s5  }
0xe: {  	[smem:$0x3FB1] =	sst s6  }
0xf: {  	[smem:$0x3FB2] =	sst s7  }
0x10: {  	[smem:$0x3FB3] =	sst s8  }
0x11: {  	[smem:$0x3FB4] =	sst s9;
	s0 =	simm.s32 @!p0 $0x0  }
0x12: {  	s1 =	sld [smem:$0x3F9A];
	s0 =	simm.s32 @p0 $0x1  }
0x13: {  	[smem:$0x3FB5] =	sst s0;
	s0 =	simm.s32 @!p1 $0x0  }
0x14: {  	s2 =	sld [smem:$0x3F99];
	s0 =	simm.s32 @p1 $0x1  }
0x15: {  	[smem:$0x3FB6] =	sst s0;
	s0 =	simm.s32 @!p2 $0x0  }
0x16: {  	s3 =	sld [smem:$0x3FDB];
	s0 =	simm.s32 @p2 $0x1  }
0x17: {  	s4 =	simm.s32 $0x1BF5;
	[smem:$0x3FB8] =	sst s0  }
0x18: {  	s0 =	sld [smem:$0x3F9B];
	_ =	swait.ge [sflag:s4], $0x0  }
0x19: {  	s7 =	sld [smem:$0x3F9C]  }
0x1a: {  	s8 =	sadd.s32 $0xFFFFE003, lr  }
0x1b: {  	s9 =	sadd.s32 $0xFFFFFEF7, lr;
	s5 =	simm.s32 $0xFFFFFFFF;
	p2 =	slt.u32 s8, $0xFFFFF086  }
0x1c: {  	p1 =	slt.u32 s9, $0xF7A;
	s5 =	simm.s32 @!p2 $0x0  }
0x1d: {  	s5 =	simm.s32 @p1 $0x1;
	p0 =	seq.s32 s7, s2  }
0x1e: {  	s7 =	smul.u32 @!p0 $0xF7A, s2;
	p2 =	seq.s32 @!p0 s5, $0x0  }
0x1f: {  	s9 =	smul.u32 $0xF7A, s1;
	s8 =	simm.s32 @!p0 $0x1BF5;
	p2 =	por !p2, p0  }
0x20: {  	[sflag:s8] =	ssyncset.s32 @!p0 $0xFFFFF086;
	s6 =	sadd.s32 @!p0 s3, s7;
	s7 =	simm.s32 @!p0 $0x108  }
0x21: {  	s3 =	sadd.s32 s3, s9;
	s6 =	sadd.s32 @!p0 $0x88, s6;
	s7 =	simm.s32 @p2 $0x1082  }
0x22: {  	[simem:s7], [sflag:s8] =	dma.local @!p0 [hbm:s6], $0xF7A  }
0x23: {  	s9 =	sor.u32 $0xD0000000, s2;
	s6 =	simm.s32 $0x108;
	_ =	swait.ge @!p0 [sflag:s8], $0x0  }
0x24: {  	s3 =	sadd.s32 $0x88, s3;
	s6 =	simm.s32 @!p1 $0x1082;
	[sflag:s4] =	ssyncset.s32 $0xFFFFF086  }
0x25: {  	[simem:s6], [sflag:s4] =	dma.local [hbm:s3], $0xF7A  }
0x26: {  	[smem:$0x3F9C] =	sst s1;
	(tag) =	ssettag s2;
	_ =	strace s9  }
0x27: {  	s1 =	sld [smem:$0x3FAC]  }
0x28: {  	s2 =	sld [smem:$0x3FAD]  }
0x29: {  	s4 =	sld [smem:$0x3FAF]  }
0x2a: {  	p0 =	seq.s32 s5, $0x0;
	s5 =	sld [smem:$0x3FB0]  }
0x2b: {  	s6 =	sld [smem:$0x3FB1]  }
0x2c: {  	s7 =	sld [smem:$0x3FB2]  }
0x2d: {  	s3 =	simm.s32 $0x108;
	s8 =	sld [smem:$0x3FB3]  }
0x2e: {  	s3 =	simm.s32 @!p0 $0x1082;
	s9 =	sld [smem:$0x3FB4]  }
0x2f: {  	lr =	sadd.s32 s0, s3;
	s0 =	sld [smem:$0x3FAB]  }
0x30: {  	s3 =	sld [smem:$0x3FAE]  }
0x31: {  	[smem:$0x3FB7] =	sst s10  }
0x32: {  	s10 =	sld [smem:$0x3FB5];
	_ =	sdelay $0x3  }
0x33: {  	p0 =	seq.s32 s10, $0x1;
	s10 =	sld [smem:$0x3FB7];
	_ =	sdelay $0x3  }
0x34: {  	[smem:$0x3FB7] =	sst s10  }
0x35: {  	s10 =	sld [smem:$0x3FB6];
	_ =	sdelay $0x3  }
0x36: {  	p1 =	seq.s32 s10, $0x1;
	s10 =	sld [smem:$0x3FB7];
	_ =	sdelay $0x3  }
0x37: {  	[smem:$0x3FB7] =	sst s10  }
0x38: {  	s10 =	sld [smem:$0x3FB8]  }
0x39: {  	_ = 	snop;
	(pc) =	sbr.ind lr, $3  }
0x3a: {  	_ = 	snop  }
0x3b: {  	_ = 	snop  }
0x3c: {  	p2 =	seq.s32 s10, $0x1;
	s10 =	sld [smem:$0x3FB7]  }
0x3d: {  	_ =	shalt  }
0x3e: {  	_ =	shalt  }
0x3f: {  	_ =	shalt  }
0x40: {  	_ =	shalt  }
0x41: {  	_ =	shalt  }
0x42: {  	_ =	shalt  }
0x43: {  	_ =	shalt  }
0x44: {  	_ =	shalt  }
0x45: {  	_ =	shalt  }
0x46: {  	_ =	shalt  }
0x47: {  	_ =	shalt  }
0x48: {  	_ =	shalt  }
0x49: {  	_ =	shalt  }
0x4a: {  	_ =	shalt  }
0x4b: {  	_ =	shalt  }
0x4c: {  	_ =	shalt  }
0x4d: {  	_ =	shalt  }
0x4e: {  	_ =	shalt  }
0x4f: {  	_ =	shalt  }
0x50: {  	_ =	shalt  }
0x51: {  	_ =	shalt  }
0x52: {  	_ =	shalt  }
0x53: {  	_ =	shalt  }
0x54: {  	_ =	shalt  }
0x55: {  	_ =	shalt  }
0x56: {  	_ =	shalt  }
0x57: {  	_ =	shalt  }
0x58: {  	_ =	shalt  }
0x59: {  	_ =	shalt  }
0x5a: {  	_ =	shalt  }
0x5b: {  	_ =	shalt  }
0x5c: {  	_ =	shalt  }
0x5d: {  	_ =	shalt  }
0x5e: {  	_ =	shalt  }
0x5f: {  	_ =	shalt  }
0x60: {  	_ =	shalt  }
0x61: {  	_ =	shalt  }
0x62: {  	_ =	shalt  }
0x63: {  	_ =	shalt  }
0x64: {  	_ =	shalt  }
0x65: {  	_ =	shalt  }
0x66: {  	_ =	shalt  }
0x67: {  	_ =	shalt  }
0x68: {  	_ =	shalt  }
0x69: {  	_ =	shalt  }
0x6a: {  	_ =	shalt  }
0x6b: {  	_ =	shalt  }
0x6c: {  	_ =	shalt  }
0x6d: {  	_ =	shalt  }
0x6e: {  	_ =	shalt  }
0x6f: {  	_ =	shalt  }
0x70: {  	_ =	shalt  }
0x71: {  	_ =	shalt  }
0x72: {  	_ =	shalt  }
0x73: {  	_ =	shalt  }
0x74: {  	_ =	shalt  }
0x75: {  	_ =	shalt  }
0x76: {  	_ =	shalt  }
0x77: {  	_ =	shalt  }
0x78: {  	_ =	shalt  }
0x79: {  	_ =	shalt  }
0x7a: {  	_ =	shalt  }
0x7b: {  	_ =	shalt  }
0x7c: {  	_ =	shalt  }
0x7d: {  	_ =	shalt  }
0x7e: {  	_ =	shalt  }
0x7f: {  	_ =	shalt  }
0x80: {  	_ =	shalt  }
0x81: {  	_ =	shalt  }
0x82: {  	_ =	shalt  }
0x83: {  	_ =	shalt  }
0x84: {  	_ =	shalt  }
0x85: {  	_ =	shalt  }
0x86: {  	_ =	shalt  }
0x87: {  	_ =	shalt  }
.Lfunc_end0:
.L_simem_size_0:
called_computation_lowered:
.L_overlay_start_0:
0x88: {  	s2 =	sld [smem:$0x3FD9]  }
0x89: {  	s3 =	sld [smem:$0x3FFE];
	_ =	sdelay $0x1  }
0x8a: {  	s1 =	srdreg.scid  }
0x8b: {  	s0 =	sand.u32 $0x1, s1  }
0x8c: {  	s17 =	sshll.u32 s0, $0xA;
	s2 =	sadd.s32 s3, s2  }
0x8d: {  	s2 =	sadd.s32 s2, s17  }
0x8e: {  	[smem:$0x3FC3] =	sst s2  }
0x8f: {  	_ = 	snop  }
0x90: {  	s2 =	sld [smem:$0x3FC9]  }
0x91: {  	s18 =	sld [smem:$0x3FD0];
	(tm) =	ssettm $0x1  }
0x92: {  	s4 =	sld [smem:$0x3FFB];
	_ =	sdelay $0x3  }
0x93: {  	_ =	strace s4  }
0x94: {  	s4 =	sld [smem:$0x3FFC];
	_ =	sdelay $0x3  }
0x95: {  	_ =	strace s4  }
0x96: {  	s4 =	sld [smem:$0x3FFD];
	_ =	sdelay $0x3  }
0x97: {  	_ =	strace s4  }
0x98: {  	_ =	strace $0x8FFFFFFF  }
0x99: {  	s19 =	sld [smem:$0x3FDB];
	_ =	sdelay $0x1  }
0x9a: {  	s5 =	simm.s32 $_scs_section_size  }
0x9b: {  	s6 =	simm.s32 $_size__tile_overlayer_lowered;
	s7 =	simm.s32 $_tile_overlayer_lowered  }
0x9c: {  	s22 =	simm.s32 $0x1BFF;
	s21 =	sshll.u32 s7, $0x1;
	s4 =	sadd.s32 s5, s19  }
0x9d: {  	s8 =	simm.s32 $0x0;
	s20 =	sshll.u32 s6, $0x1;
	s6 =	sadd.s32 s21, s4  }
0x9e: {  	[timem:s8], [sflag:s22] =	dma.local [hbm:s6], s20  }
0x9f: {  	_ =	swait.ge [sflag:s22], s20  }
0xa0: {  	s5 =	ssub.s32 $0x0, s20;
	[sflag:s22] =	ssyncset.done $0x0  }
0xa1: {  	[sflag:s22] =	ssyncadd.s32 s5;
	_ =	sdelay $0x1  }
0xa2: {  	s23 =	simm.s32 $0x1B8B  }
0xa3: {  	_ =	swait.ge [sflag:s23], $0x1  }
0xa4: {  	[sflag:s23] =	ssyncset.done $0x0  }
0xa5: {  	s25 =	simm.s32 $0x1B8E;
	s24 =	sld [smem:$0x3FFE];
	[sflag:s23] =	ssyncadd.s32 $0xFFFFFFFF  }
0xa6: {  	s26 =	simm.s32 $execute0_lowered;
	[smem:$0x3FD2] =	sst s25  }
0xa7: {  	s6 =	sshll.u32 s26, $0x1;
	_ =	strace $0x80000046;
	[dreg:$0x1] =	wrdreg $0xFFFFFFFF  }
0xa8: {  	s28 =	simm.s32 $_size_execute0_lowered;
	s4 =	sadd.s32 s4, s6;
	[dreg:$0x0] =	wrdreg $0x0  }
0xa9: {  	s6 =	sshll.u32 s28, $0x1;
	[dreg:$0x2] =	wrdreg s4  }
0xaa: {  	[dreg:$0x3] =	wrdreg s6  }
0xab: {  	[dreg:$0x4] =	wrdreg $0xC0  }
0xac: {  	_ =	task [dreg:s8], $0x5FFFF  }
0xad: {  	[dreg:$0x1] =	wrdreg $0xFFFFFFFF  }
0xae: {  	[dreg:$0x0] =	wrdreg $0x60  }
0xaf: {  	[dreg:$0x2] =	wrdreg s2  }
0xb0: {  	[dreg:$0x3] =	wrdreg s24  }
0xb1: {  	[dreg:$0x4] =	wrdreg s18  }
0xb2: {  	[dreg:$0x5] =	wrdreg $0x9  }
0xb3: {  	_ =	task.clear_ibuf [dreg:s8], $0x6FFFF;
	_ =	strace $0x90000046  }
0xb4: {  	s29 =	simm.s32 $0x9;
	_ =	strace $0x80000048  }
0xb5: {  	_ =	swait.ge [sflag:s29], $0x1  }
0xb6: {  	[sflag:s29] =	ssyncadd.s32 $0xFFFFFFFF  }
0xb7: {  	_ =	strace $0x90000048  }
0xb8: {  	_ =	sfence  }
0xb9: {  	s30 =	sld [smem:$0x0];
	_ =	sdelay $0x2  }
0xba: {  	s31 =	sshll.u32 s1, $0xD;
	s1 =	sshrl.u32 s1, $0x2  }
0xbb: {  	s3 =	sand.u32 $0x4000, s31;
	s1 =	sadd.s32 s1, s30  }
0xbc: {  	s0 =	sor.u32 s3, s0;
	s1 =	sshll.u32 s1, $0x11  }
0xbd: {  	s0 =	sor.u32 s1, s0  }
0xbe: {  	s0 =	sadd.s32 $0x8F2B, s0  }
0xbf: {  	[sflag:s0] =	ssyncadd.remote.s32 $0x1  }
0xc0: {  	_ =	sfence.sel $0xFFFF  }
0xc1: {  	[dreg:$0x0] =	wrdreg $0xFFFFFFFF;
	(pc) =	sbr.abs _section_cstart, $3  }
0xc2: {  	[dreg:$0x1] =	wrdreg $0xFFFFFFFF  }
0xc3: {  	_ =	task.clear_ibuf [dreg:s8], $0x2FFFF;
	_ =	strace $0x9FFFFFFF  }
0xc4: {  	(tm) =	ssettm $0x7FFFFFFF  }
0xc5: {  	_ =	shalt  }
tec
execute0_lowered:
.L_overlay_start_1:
0x0: {  	(tag) =	ssettag $0x1  }
0x1: {  	s1 =	rddreg [dreg:$0x0]  }
0x2: {  	s0 =	rddreg [dreg:$0x1]  }
0x3: {  	s5 =	rddreg [dreg:$0x2];
	s3 =	srdreg.scid  }
0x4: {  	s2 =	stileid.u32;
	s23 =	simm.s32 $0x900;
	s24 =	simm.s32 $0x1100  }
0x5: {  	s25 =	simm.s32 $0x1900;
	s26 =	simm.s32 $0x2100;
	s10 =	simm.s32 $0x3100  }
0x6: {  	s11 =	simm.s32 $0x3900;
	s12 =	simm.s32 $0x4100;
	s13 =	simm.s32 $0x4900  }
0x7: {  	s14 =	simm.s32 $0x5100;
	s15 =	simm.s32 $0x5900;
	s16 =	simm.s32 $0x6100  }
0x8: {  	s17 =	simm.s32 $0x6900;
	s4 =	sand.u32 $0x1, s3;
	s3 =	simm.s32 $0x0  }
0x9: {  	s18 =	simm.s32 $0x7100;
	s19 =	sadd.s32 $0x2000, s0;
	[smem:$0x7FF] =	sst s3  }
0xa: {  	s28 =	simm.s32 $0xB900;
	_ =	strace $0x80000047;
	[dreg:$0x4] =	wrdreg s19  }
0xb: {  	s29 =	simm.s32 $0x40;
	s30 =	simm.s32 $0x80;
	[dreg:$0x8] =	wrdreg s23  }
0xc: {  	s31 =	simm.s32 $0x1;
	s6 =	sshll.u32 s2, $0x4;
	[dreg:$0x9] =	wrdreg s24  }
0xd: {  	s7 =	sshll.u32 s4, $0x3;
	s4 =	ssub.s32 $0x2, s4;
	[dreg:$0xa] =	wrdreg s25  }
0xe: {  	s6 =	sor.u32 s7, s6;
	s20 =	sshrl.u32 s4, $0x1;
	[dreg:$0xb] =	wrdreg s26  }
0xf: {  	s19 =	simm.s32 $0x7900;
	s23 =	simm.s32 $0x9900;
	s24 =	simm.s32 $0xA100  }
0x10: {  	s25 =	simm.s32 $0xA900;
	s26 =	simm.s32 $0xB100;
	s8 =	smul.u32 $0x300, s6  }
0x11: {  	s9 =	sadd.s32 s6, s0;
	s7 =	ssub.s32 s4, s20;
	s4 =	sadd.s32 $0x100, s1  }
0x12: {  	s22 =	sadd.s32 s5, s6;
	s5 =	sadd.s32 $0x200, s1;
	s20 =	simm.s32 $0x8100  }
0x13: {  	s21 =	sadd.s32 $0x2200, s9;
	[dreg:$0x7] =	wrdreg s22;
	s6 =	smax.u32 s7, $0x1  }
0x14: {  	v2 =	vlaneseq.u32;
	s7 =	simm.s32 $0x3;
	s22 =	simm.s32 $0x9100;
	s0 =	sadd.s32 s8, s0  }
0x15: {  	vm0 =	vmmov $0xffff;
	v1 =	vshrl.u32 v2, $0x3;
	[dreg:$0x5] =	wrdreg s21;
	s8 =	simm.s32 $0x100;
	s0 =	sadd.s32 $0x2600, s0  }
0x16: {  	v0 =	vand.u32 $0x7, v2;
	v2 =	vor.u32 $0x8, v2;
	v1 =	vmul.u32 $0x8, v1;
	s21 =	simm.s32 $0x8900;
	[dreg:$0x6] =	wrdreg s0;
	s0 =	simm.s32 $0x2  }
.LBB2_1:
0x17: {  	s2 =	rddreg [dreg:$0x5]  }
0x18: {  	[tilespmem:s3], [sflag:$0x3] =	stream.linear.gather [hbm4b:s2+s3], $0x40, $0x38;
	[tilespmem:$0xC100] =	vst v63  }
0x19: {  	_ =	swait.ge [sflag:s7], $0x40  }
0x1a: {  	[sflag:s7] =	ssyncset.done $0x0  }
0x1b: {  	[sflag:s7] =	ssyncadd.s32 $0xFFFFFFC0  }
0x1c: {  	v3 =	vld [tilespmem:$0x0];
	_ =	sdelay $0x4  }
0x1d: {  	v4 =	vshrl.u32 v3, $0x3  }
0x1e: {  	v4 =	vmul.u32 $0x30, v4  }
0x1f: {  	v3 =	vand.u32 $0x7, v3  }
0x20: {  	v3 =	vor.u32 v3, v4  }
0x21: {  	v4 =	vperm.xlane v3, v0;
	_ =	sdelay $0x1  }
0x22: {  	v4 =	vadd.s32 v1, v4;
	_ =	sdelay $0x3  }
0x23: {  	v3 =	vperm.xlane v3, v2  }
0x24: {  	[tilespmem:s8], [sflag:$0x1] =	stream.indirect_vreg.gather [hbm4b:s1+s3], $0x80, v4, vm0, $0xb8;
	[tilespmem:$0xC100] =	vst v63  }
0x25: {  	s2 =	rddreg [dreg:$0x8];
	v3 =	vadd.s32 v1, v3  }
0x26: {  	[tilespmem:s2], [sflag:$0x1] =	stream.indirect_vreg.gather [hbm4b:s4+s3], $0x80, v4, vm0, $0xb8;
	[tilespmem:$0xC100] =	vst v63  }
0x27: {  	s9 =	rddreg [dreg:$0x9]  }
0x28: {  	[tilespmem:s9], [sflag:$0x1] =	stream.indirect_vreg.gather [hbm4b:s5+s3], $0x80, v4, vm0, $0xb8;
	[tilespmem:$0xC100] =	vst v63  }
0x29: {  	s2 =	rddreg [dreg:$0xa]  }
0x2a: {  	[tilespmem:s2], [sflag:$0x1] =	stream.indirect_vreg.gather [hbm4b:s1+s3], $0x80, v3, vm0, $0xb8;
	[tilespmem:$0xC100] =	vst v63  }
0x2b: {  	s9 =	rddreg [dreg:$0xb]  }
0x2c: {  	[tilespmem:s9], [sflag:$0x1] =	stream.indirect_vreg.gather [hbm4b:s4+s3], $0x80, v3, vm0, $0xb8;
	[tilespmem:$0xC100] =	vst v63  }
0x2d: {  	s9 =	simm.s32 $0x2900  }
0x2e: {  	[tilespmem:s9], [sflag:$0x1] =	stream.indirect_vreg.gather [hbm4b:s5+s3], $0x80, v3, vm0, $0xb8;
	[tilespmem:$0xC100] =	vst v63  }
0x2f: {  	v3 =	vld [tilespmem:$0x10];
	_ =	sdelay $0x4  }
0x30: {  	v61 =	vshrl.u32 v3, $0x3  }
0x31: {  	v4 =	vmul.u32 $0x30, v61  }
0x32: {  	v3 =	vand.u32 $0x7, v3  }
0x33: {  	v3 =	vor.u32 v3, v4  }
0x34: {  	v4 =	vperm.xlane v3, v0;
	_ =	sdelay $0x1  }
0x35: {  	v4 =	vadd.s32 v1, v4;
	_ =	sdelay $0x3  }
0x36: {  	v3 =	vperm.xlane v3, v2  }
0x37: {  	[tilespmem:s10], [sflag:$0x1] =	stream.indirect_vreg.gather [hbm4b:s1+s3], $0x80, v4, vm0, $0xb8;
	[tilespmem:$0xC100] =	vst v63  }
0x38: {  	v3 =	vadd.s32 v1, v3  }
0x39: {  	[tilespmem:s11], [sflag:$0x1] =	stream.indirect_vreg.gather [hbm4b:s4+s3], $0x80, v4, vm0, $0xb8;
	[tilespmem:$0xC100] =	vst v63  }
0x3a: {  	_ = 	snop  }
0x3b: {  	[tilespmem:s12], [sflag:$0x1] =	stream.indirect_vreg.gather [hbm4b:s5+s3], $0x80, v4, vm0, $0xb8;
	[tilespmem:$0xC100] =	vst v63  }
0x3c: {  	_ = 	snop  }
0x3d: {  	[tilespmem:s13], [sflag:$0x1] =	stream.indirect_vreg.gather [hbm4b:s1+s3], $0x80, v3, vm0, $0xb8;
	[tilespmem:$0xC100] =	vst v63  }
0x3e: {  	_ = 	snop  }
0x3f: {  	[tilespmem:s14], [sflag:$0x1] =	stream.indirect_vreg.gather [hbm4b:s4+s3], $0x80, v3, vm0, $0xb8;
	[tilespmem:$0xC100] =	vst v63  }
0x40: {  	_ = 	snop  }
0x41: {  	[tilespmem:s15], [sflag:$0x1] =	stream.indirect_vreg.gather [hbm4b:s5+s3], $0x80, v3, vm0, $0xb8;
	[tilespmem:$0xC100] =	vst v63  }
0x42: {  	v3 =	vld [tilespmem:$0x20];
	_ =	sdelay $0x4  }
0x43: {  	v62 =	vshrl.u32 v3, $0x3  }
0x44: {  	v4 =	vmul.u32 $0x30, v62  }
0x45: {  	v3 =	vand.u32 $0x7, v3  }
0x46: {  	v3 =	vor.u32 v3, v4  }
0x47: {  	v4 =	vperm.xlane v3, v0;
	_ =	sdelay $0x1  }
0x48: {  	v4 =	vadd.s32 v1, v4;
	_ =	sdelay $0x3  }
0x49: {  	v3 =	vperm.xlane v3, v2  }
0x4a: {  	[tilespmem:s16], [sflag:$0x1] =	stream.indirect_vreg.gather [hbm4b:s1+s3], $0x80, v4, vm0, $0xb8;
	[tilespmem:$0xC100] =	vst v63  }
0x4b: {  	v3 =	vadd.s32 v1, v3  }
0x4c: {  	[tilespmem:s17], [sflag:$0x1] =	stream.indirect_vreg.gather [hbm4b:s4+s3], $0x80, v4, vm0, $0xb8;
	[tilespmem:$0xC100] =	vst v63  }
0x4d: {  	_ = 	snop  }
0x4e: {  	[tilespmem:s18], [sflag:$0x1] =	stream.indirect_vreg.gather [hbm4b:s5+s3], $0x80, v4, vm0, $0xb8;
	[tilespmem:$0xC100] =	vst v63  }
0x4f: {  	_ = 	snop  }
0x50: {  	[tilespmem:s19], [sflag:$0x1] =	stream.indirect_vreg.gather [hbm4b:s1+s3], $0x80, v3, vm0, $0xb8;
	[tilespmem:$0xC100] =	vst v63  }
0x51: {  	_ = 	snop  }
0x52: {  	[tilespmem:s20], [sflag:$0x1] =	stream.indirect_vreg.gather [hbm4b:s4+s3], $0x80, v3, vm0, $0xb8;
	[tilespmem:$0xC100] =	vst v63  }
0x53: {  	_ = 	snop  }
0x54: {  	[tilespmem:s21], [sflag:$0x1] =	stream.indirect_vreg.gather [hbm4b:s5+s3], $0x80, v3, vm0, $0xb8;
	[tilespmem:$0xC100] =	vst v63  }
0x55: {  	v3 =	vld [tilespmem:$0x30];
	_ =	sdelay $0x4  }
0x56: {  	v63 =	vshrl.u32 v3, $0x3  }
0x57: {  	v4 =	vmul.u32 $0x30, v63  }
0x58: {  	v3 =	vand.u32 $0x7, v3  }
0x59: {  	v3 =	vor.u32 v3, v4  }
0x5a: {  	v4 =	vperm.xlane v3, v0;
	_ =	sdelay $0x1  }
0x5b: {  	v4 =	vadd.s32 v1, v4;
	_ =	sdelay $0x3  }
0x5c: {  	v3 =	vperm.xlane v3, v2  }
0x5d: {  	[tilespmem:s22], [sflag:$0x1] =	stream.indirect_vreg.gather [hbm4b:s1+s3], $0x80, v4, vm0, $0xb8;
	[tilespmem:$0xC100] =	vst v63  }
0x5e: {  	v3 =	vadd.s32 v1, v3  }
0x5f: {  	[tilespmem:s23], [sflag:$0x1] =	stream.indirect_vreg.gather [hbm4b:s4+s3], $0x80, v4, vm0, $0xb8;
	[tilespmem:$0xC100] =	vst v63  }
0x60: {  	_ = 	snop  }
0x61: {  	[tilespmem:s24], [sflag:$0x1] =	stream.indirect_vreg.gather [hbm4b:s5+s3], $0x80, v4, vm0, $0xb8;
	[tilespmem:$0xC100] =	vst v63  }
0x62: {  	_ = 	snop  }
0x63: {  	[tilespmem:s25], [sflag:$0x1] =	stream.indirect_vreg.gather [hbm4b:s1+s3], $0x80, v3, vm0, $0xb8;
	[tilespmem:$0xC100] =	vst v63  }
0x64: {  	_ = 	snop  }
0x65: {  	[tilespmem:s26], [sflag:$0x1] =	stream.indirect_vreg.gather [hbm4b:s4+s3], $0x80, v3, vm0, $0xb8;
	[tilespmem:$0xC100] =	vst v63  }
0x66: {  	_ = 	snop  }
0x67: {  	[tilespmem:s28], [sflag:$0x1] =	stream.indirect_vreg.gather [hbm4b:s5+s3], $0x80, v3, vm0, $0xb8;
	[tilespmem:$0xC100] =	vst v63  }
0x68: {  	s9 =	rddreg [dreg:$0x4]  }
0x69: {  	[tilespmem:s30], [sflag:$0x2] =	stream.indirect.gather [hbm4b:s9+s29], $0x1, s3, s29, $0xb8;
	[tilespmem:$0xC100] =	vst v63  }
0x6a: {  	_ =	swait.ge [sflag:s31], $0xC000  }
0x6b: {  	[sflag:s31] =	ssyncset.done $0x0  }
0x6c: {  	[sflag:s31] =	ssyncadd.s32 $0xFFFF4000  }
0x6d: {  	_ =	swait.ge [sflag:s0], $0x40  }
0x6e: {  	[sflag:s0] =	ssyncset.done $0x0  }
0x6f: {  	s2 =	rddreg [dreg:$0x6];
	[sflag:s0] =	ssyncadd.s32 $0xFFFFFFC0  }
0x70: {  	[hbm4b:s2+s3] =	stream.linear.scatter [tilespmem:s8], [sflag:$0x1], $0xC000, $0x38;
	[tilespmem:$0xC100] =	vst v63  }
0x71: {  	s9 =	rddreg [dreg:$0x7]  }
0x72: {  	[hbm4b:s9+s3] =	stream.linear.scatter [tilespmem:s30], [sflag:$0x2], $0x40, $0x38;
	[tilespmem:$0xC100] =	vst v63  }
0x73: {  	p0 =	sne.s32 s6, $0x1;
	_ =	swait.ge [sflag:s31], $0xC000  }
.Ltmp0:
0x74: {  	[sflag:s31] =	ssyncset.done $0x0;
	(pc) =	sbr.rel @p0 .LBB2_1-.Ltmp0, $4  }
0x75: {  	[sflag:s31] =	ssyncadd.s32 $0xFFFF4000  }
0x76: {  	_ =	swait.ge [sflag:s0], $0x40  }
0x77: {  	[sflag:s0] =	ssyncset.done $0x0  }
0x78: {  	s6 =	sadd.s32 $0xFFFFFFFF, s6;
	[sflag:s0] =	ssyncadd.s32 $0xFFFFFFC0  }
0x79: {  	_ =	sfence.sel $0x180000  }
0x7a: {  	[bflag:$0x0] =	sbarrier.arrive $0xFFFF  }
0x7b: {  	_ =	strace $0x90000047  }
0x7c: {  	s0 =	stileid.u32;
	[bflag:$0x2] =	sbarrier.arrive $0xFFFF  }
0x7d: {  	p0 =	sne.s32 s0, $0x0;
	s0 =	rddreg [dreg:$0x3]  }
0x7e: {  	s0 =	sadd.s32 @!p0 $0x100000, s0  }
0x7f: {  	[sflag:s0] =	ssyncadd.tile.s32 @!p0 $0x1;
	_ =	shalt  }
.Lfunc_end2:
_tile_overlayer_lowered:
.L_overlay_start_2:
0x80: {  	(tag) =	ssettag $0x2  }
0x81: {  	s0 =	rddreg [dreg:$0x0];
	s2 =	stileid.u32  }
0x82: {  	s1 =	rddreg [dreg:$0x1];
	p0 =	sne.s32 s2, $0x0  }
0x83: {  	s3 =	rddreg [dreg:$0x2];
	[bflag:$0x3] =	sbarrier.arrive $0xFFFF;
	s2 =	simm.s32 @!p0 $0x1C03  }
0x84: {  	[timem:s3], [sflag:s2] =	dma.local @!p0 [hbm:s0], s1  }
0x85: {  	s0 =	simm.s32 @!p0 $0x3  }
0x86: {  	_ =	swait.ge @!p0 [sflag:s0], s1  }
0x87: {  	s1 =	ssub.s32 @!p0 $0x0, s1;
	[sflag:s0] =	ssyncset.done @!p0 $0x0  }
0x88: {  	[sflag:s0] =	ssyncadd.s32 @!p0 s1  }
0x89: {  	[bflag:$0x3] =	sbarrier.arrive $0xFFFF  }
0x8a: {  	_ =	shalt  }

// kernel: kernel.9.cloned.1.call-start
scs
__scs_entry_jumppad:
0x0: {  	(pc) =	sbr.rel $0x88, $3  }
0x1: {  	(tag) =	ssettag $0x0;
	lr =	simm.s32 $0x1  }
0x2: {  	[smem:$0x3F9C] =	sst lr;
	_ =	strace $0xD0000000  }
0x3: {  	_ = 	snop  }
0x4: {  	_ = 	snop  }
0x5: {  	_ = 	snop  }
0x6: {  	_ = 	snop  }
0x7: {  	_ = 	snop  }
__scs_overlays_trampoline_lowered:
0x8: {  	[smem:$0x3FAB] =	sst s0  }
0x9: {  	[smem:$0x3FAC] =	sst s1  }
0xa: {  	[smem:$0x3FAD] =	sst s2  }
0xb: {  	[smem:$0x3FAE] =	sst s3  }
0xc: {  	[smem:$0x3FAF] =	sst s4  }
0xd: {  	[smem:$0x3FB0] =	sst s5  }
0xe: {  	[smem:$0x3FB1] =	sst s6  }
0xf: {  	[smem:$0x3FB2] =	sst s7  }
0x10: {  	[smem:$0x3FB3] =	sst s8  }
0x11: {  	[smem:$0x3FB4] =	sst s9;
	s0 =	simm.s32 @!p0 $0x0  }
0x12: {  	s1 =	sld [smem:$0x3F9A];
	s0 =	simm.s32 @p0 $0x1  }
0x13: {  	[smem:$0x3FB5] =	sst s0;
	s0 =	simm.s32 @!p1 $0x0  }
0x14: {  	s2 =	sld [smem:$0x3F99];
	s0 =	simm.s32 @p1 $0x1  }
0x15: {  	[smem:$0x3FB6] =	sst s0;
	s0 =	simm.s32 @!p2 $0x0  }
0x16: {  	s3 =	sld [smem:$0x3FDB];
	s0 =	simm.s32 @p2 $0x1  }
0x17: {  	s4 =	simm.s32 $0x1BF5;
	[smem:$0x3FB8] =	sst s0  }
0x18: {  	s0 =	sld [smem:$0x3F9B];
	_ =	swait.ge [sflag:s4], $0x0  }
0x19: {  	s7 =	sld [smem:$0x3F9C]  }
0x1a: {  	s8 =	sadd.s32 $0xFFFFE003, lr  }
0x1b: {  	s9 =	sadd.s32 $0xFFFFFEF7, lr;
	s5 =	simm.s32 $0xFFFFFFFF;
	p2 =	slt.u32 s8, $0xFFFFF086  }
0x1c: {  	p1 =	slt.u32 s9, $0xF7A;
	s5 =	simm.s32 @!p2 $0x0  }
0x1d: {  	s5 =	simm.s32 @p1 $0x1;
	p0 =	seq.s32 s7, s2  }
0x1e: {  	s7 =	smul.u32 @!p0 $0xF7A, s2;
	p2 =	seq.s32 @!p0 s5, $0x0  }
0x1f: {  	s9 =	smul.u32 $0xF7A, s1;
	s8 =	simm.s32 @!p0 $0x1BF5;
	p2 =	por !p2, p0  }
0x20: {  	[sflag:s8] =	ssyncset.s32 @!p0 $0xFFFFF086;
	s6 =	sadd.s32 @!p0 s3, s7;
	s7 =	simm.s32 @!p0 $0x108  }
0x21: {  	s3 =	sadd.s32 s3, s9;
	s6 =	sadd.s32 @!p0 $0x88, s6;
	s7 =	simm.s32 @p2 $0x1082  }
0x22: {  	[simem:s7], [sflag:s8] =	dma.local @!p0 [hbm:s6], $0xF7A  }
0x23: {  	s9 =	sor.u32 $0xD0000000, s2;
	s6 =	simm.s32 $0x108;
	_ =	swait.ge @!p0 [sflag:s8], $0x0  }
0x24: {  	s3 =	sadd.s32 $0x88, s3;
	s6 =	simm.s32 @!p1 $0x1082;
	[sflag:s4] =	ssyncset.s32 $0xFFFFF086  }
0x25: {  	[simem:s6], [sflag:s4] =	dma.local [hbm:s3], $0xF7A  }
0x26: {  	[smem:$0x3F9C] =	sst s1;
	(tag) =	ssettag s2;
	_ =	strace s9  }
0x27: {  	s1 =	sld [smem:$0x3FAC]  }
0x28: {  	s2 =	sld [smem:$0x3FAD]  }
0x29: {  	s4 =	sld [smem:$0x3FAF]  }
0x2a: {  	p0 =	seq.s32 s5, $0x0;
	s5 =	sld [smem:$0x3FB0]  }
0x2b: {  	s6 =	sld [smem:$0x3FB1]  }
0x2c: {  	s7 =	sld [smem:$0x3FB2]  }
0x2d: {  	s3 =	simm.s32 $0x108;
	s8 =	sld [smem:$0x3FB3]  }
0x2e: {  	s3 =	simm.s32 @!p0 $0x1082;
	s9 =	sld [smem:$0x3FB4]  }
0x2f: {  	lr =	sadd.s32 s0, s3;
	s0 =	sld [smem:$0x3FAB]  }
0x30: {  	s3 =	sld [smem:$0x3FAE]  }
0x31: {  	[smem:$0x3FB7] =	sst s10  }
0x32: {  	s10 =	sld [smem:$0x3FB5];
	_ =	sdelay $0x3  }
0x33: {  	p0 =	seq.s32 s10, $0x1;
	s10 =	sld [smem:$0x3FB7];
	_ =	sdelay $0x3  }
0x34: {  	[smem:$0x3FB7] =	sst s10  }
0x35: {  	s10 =	sld [smem:$0x3FB6];
	_ =	sdelay $0x3  }
0x36: {  	p1 =	seq.s32 s10, $0x1;
	s10 =	sld [smem:$0x3FB7];
	_ =	sdelay $0x3  }
0x37: {  	[smem:$0x3FB7] =	sst s10  }
0x38: {  	s10 =	sld [smem:$0x3FB8]  }
0x39: {  	_ = 	snop;
	(pc) =	sbr.ind lr, $3  }
0x3a: {  	_ = 	snop  }
0x3b: {  	_ = 	snop  }
0x3c: {  	p2 =	seq.s32 s10, $0x1;
	s10 =	sld [smem:$0x3FB7]  }
0x3d: {  	_ =	shalt  }
0x3e: {  	_ =	shalt  }
0x3f: {  	_ =	shalt  }
0x40: {  	_ =	shalt  }
0x41: {  	_ =	shalt  }
0x42: {  	_ =	shalt  }
0x43: {  	_ =	shalt  }
0x44: {  	_ =	shalt  }
0x45: {  	_ =	shalt  }
0x46: {  	_ =	shalt  }
0x47: {  	_ =	shalt  }
0x48: {  	_ =	shalt  }
0x49: {  	_ =	shalt  }
0x4a: {  	_ =	shalt  }
0x4b: {  	_ =	shalt  }
0x4c: {  	_ =	shalt  }
0x4d: {  	_ =	shalt  }
0x4e: {  	_ =	shalt  }
0x4f: {  	_ =	shalt  }
0x50: {  	_ =	shalt  }
0x51: {  	_ =	shalt  }
0x52: {  	_ =	shalt  }
0x53: {  	_ =	shalt  }
0x54: {  	_ =	shalt  }
0x55: {  	_ =	shalt  }
0x56: {  	_ =	shalt  }
0x57: {  	_ =	shalt  }
0x58: {  	_ =	shalt  }
0x59: {  	_ =	shalt  }
0x5a: {  	_ =	shalt  }
0x5b: {  	_ =	shalt  }
0x5c: {  	_ =	shalt  }
0x5d: {  	_ =	shalt  }
0x5e: {  	_ =	shalt  }
0x5f: {  	_ =	shalt  }
0x60: {  	_ =	shalt  }
0x61: {  	_ =	shalt  }
0x62: {  	_ =	shalt  }
0x63: {  	_ =	shalt  }
0x64: {  	_ =	shalt  }
0x65: {  	_ =	shalt  }
0x66: {  	_ =	shalt  }
0x67: {  	_ =	shalt  }
0x68: {  	_ =	shalt  }
0x69: {  	_ =	shalt  }
0x6a: {  	_ =	shalt  }
0x6b: {  	_ =	shalt  }
0x6c: {  	_ =	shalt  }
0x6d: {  	_ =	shalt  }
0x6e: {  	_ =	shalt  }
0x6f: {  	_ =	shalt  }
0x70: {  	_ =	shalt  }
0x71: {  	_ =	shalt  }
0x72: {  	_ =	shalt  }
0x73: {  	_ =	shalt  }
0x74: {  	_ =	shalt  }
0x75: {  	_ =	shalt  }
0x76: {  	_ =	shalt  }
0x77: {  	_ =	shalt  }
0x78: {  	_ =	shalt  }
0x79: {  	_ =	shalt  }
0x7a: {  	_ =	shalt  }
0x7b: {  	_ =	shalt  }
0x7c: {  	_ =	shalt  }
0x7d: {  	_ =	shalt  }
0x7e: {  	_ =	shalt  }
0x7f: {  	_ =	shalt  }
0x80: {  	_ =	shalt  }
0x81: {  	_ =	shalt  }
0x82: {  	_ =	shalt  }
0x83: {  	_ =	shalt  }
0x84: {  	_ =	shalt  }
0x85: {  	_ =	shalt  }
0x86: {  	_ =	shalt  }
0x87: {  	_ =	shalt  }
.Lfunc_end0:
.L_simem_size_0:
called_computation.1_lowered:
.L_overlay_start_0:
0x88: {  	s2 =	sld [smem:$0x3FD9]  }
0x89: {  	s3 =	sld [smem:$0x3FFE];
	_ =	sdelay $0x1  }
0x8a: {  	s1 =	srdreg.scid  }
0x8b: {  	s0 =	sand.u32 $0x1, s1  }
0x8c: {  	s17 =	sshll.u32 s0, $0xA;
	s2 =	sadd.s32 s3, s2  }
0x8d: {  	s2 =	sadd.s32 s2, s17  }
0x8e: {  	[smem:$0x3FC3] =	sst s2  }
0x8f: {  	_ = 	snop  }
0x90: {  	s2 =	sld [smem:$0x3FD0];
	(tm) =	ssettm $0x1  }
0x91: {  	s18 =	sld [smem:$0x3FFB];
	_ =	sdelay $0x3  }
0x92: {  	_ =	strace s18  }
0x93: {  	s3 =	sld [smem:$0x3FFC];
	_ =	sdelay $0x3  }
0x94: {  	_ =	strace s3  }
0x95: {  	s3 =	sld [smem:$0x3FFD];
	_ =	sdelay $0x3  }
0x96: {  	_ =	strace s3  }
0x97: {  	_ =	strace $0x8FFFFFFF  }
0x98: {  	s19 =	sld [smem:$0x3FDB];
	_ =	sdelay $0x1  }
0x99: {  	s4 =	simm.s32 $_scs_section_size  }
0x9a: {  	s5 =	simm.s32 $_size__tile_overlayer_lowered;
	s6 =	simm.s32 $_tile_overlayer_lowered  }
0x9b: {  	s22 =	simm.s32 $0x1BFF;
	s21 =	sshll.u32 s6, $0x1;
	s3 =	sadd.s32 s4, s19  }
0x9c: {  	s7 =	simm.s32 $0x0;
	s20 =	sshll.u32 s5, $0x1;
	s5 =	sadd.s32 s21, s3  }
0x9d: {  	[timem:s7], [sflag:s22] =	dma.local [hbm:s5], s20  }
0x9e: {  	_ =	swait.ge [sflag:s22], s20  }
0x9f: {  	s4 =	ssub.s32 $0x0, s20;
	[sflag:s22] =	ssyncset.done $0x0  }
0xa0: {  	[sflag:s22] =	ssyncadd.s32 s4;
	_ =	sdelay $0x1  }
0xa1: {  	s23 =	simm.s32 $0x1B8B  }
0xa2: {  	_ =	swait.ge [sflag:s23], $0x1  }
0xa3: {  	[sflag:s23] =	ssyncset.done $0x0  }
0xa4: {  	s25 =	simm.s32 $0x1B8E;
	s24 =	sld [smem:$0x3FFE];
	[sflag:s23] =	ssyncadd.s32 $0xFFFFFFFF  }
0xa5: {  	s26 =	simm.s32 $execute0_lowered;
	[smem:$0x3FD2] =	sst s25  }
0xa6: {  	s5 =	sshll.u32 s26, $0x1;
	_ =	strace $0x80000049;
	[dreg:$0x1] =	wrdreg $0xFFFFFFFF  }
0xa7: {  	s28 =	simm.s32 $_size_execute0_lowered;
	s3 =	sadd.s32 s3, s5;
	[dreg:$0x0] =	wrdreg $0x0  }
0xa8: {  	s5 =	sshll.u32 s28, $0x1;
	[dreg:$0x2] =	wrdreg s3  }
0xa9: {  	[dreg:$0x3] =	wrdreg s5  }
0xaa: {  	[dreg:$0x4] =	wrdreg $0xC0  }
0xab: {  	_ =	task [dreg:s7], $0x5FFFF  }
0xac: {  	[dreg:$0x1] =	wrdreg $0xFFFFFFFF  }
0xad: {  	[dreg:$0x0] =	wrdreg $0x60  }
0xae: {  	[dreg:$0x2] =	wrdreg s24  }
0xaf: {  	[dreg:$0x3] =	wrdreg s2  }
0xb0: {  	[dreg:$0x4] =	wrdreg $0x9  }
0xb1: {  	_ =	task.clear_ibuf [dreg:s7], $0x5FFFF;
	_ =	strace $0x90000049  }
0xb2: {  	s29 =	simm.s32 $0x9;
	_ =	strace $0x8000004B  }
0xb3: {  	_ =	swait.ge [sflag:s29], $0x1  }
0xb4: {  	[sflag:s29] =	ssyncadd.s32 $0xFFFFFFFF  }
0xb5: {  	_ =	strace $0x9000004B  }
0xb6: {  	_ =	sfence  }
0xb7: {  	s30 =	sld [smem:$0x0];
	_ =	sdelay $0x2  }
0xb8: {  	s31 =	sshll.u32 s1, $0xD;
	s1 =	sshrl.u32 s1, $0x2  }
0xb9: {  	s3 =	sand.u32 $0x4000, s31;
	s1 =	sadd.s32 s1, s30  }
0xba: {  	s0 =	sor.u32 s3, s0;
	s1 =	sshll.u32 s1, $0x11  }
0xbb: {  	s0 =	sor.u32 s1, s0  }
0xbc: {  	s0 =	sadd.s32 $0x8F2B, s0  }
0xbd: {  	[sflag:s0] =	ssyncadd.remote.s32 $0x1  }
0xbe: {  	_ =	sfence.sel $0xFFFF  }
0xbf: {  	[dreg:$0x0] =	wrdreg $0xFFFFFFFF;
	(pc) =	sbr.abs _section_cstart, $3  }
0xc0: {  	[dreg:$0x1] =	wrdreg $0xFFFFFFFF  }
0xc1: {  	_ =	task.clear_ibuf [dreg:s7], $0x2FFFF;
	_ =	strace $0x9FFFFFFF  }
0xc2: {  	(tm) =	ssettm $0x7FFFFFFF  }
0xc3: {  	_ =	shalt  }
tec
execute0_lowered:
.L_overlay_start_1:
0x0: {  	(tag) =	ssettag $0x1  }
0x1: {  	s0 =	rddreg [dreg:$0x0]  }
0x2: {  	s5 =	rddreg [dreg:$0x1];
	s3 =	srdreg.scid  }
0x3: {  	s2 =	simm.s32 $0x0;
	s1 =	stileid.u32;
	s26 =	simm.s32 $0x880  }
0x4: {  	s10 =	simm.s32 $0x1880;
	s11 =	simm.s32 $0x2080;
	s12 =	simm.s32 $0x2880  }
0x5: {  	s13 =	simm.s32 $0x3080;
	s14 =	simm.s32 $0x3880;
	s15 =	simm.s32 $0x4080  }
0x6: {  	s16 =	simm.s32 $0x4880;
	s17 =	simm.s32 $0x5080;
	s18 =	simm.s32 $0x5880  }
0x7: {  	s19 =	simm.s32 $0x6080;
	s20 =	simm.s32 $0x6880;
	s21 =	simm.s32 $0x7080  }
0x8: {  	s22 =	simm.s32 $0x7880;
	s28 =	simm.s32 $0xA080;
	s29 =	simm.s32 $0xA880  }
0x9: {  	s30 =	simm.s32 $0xB080;
	s31 =	simm.s32 $0xB880;
	s3 =	sand.u32 $0x1, s3  }
0xa: {  	[smem:$0x7FF] =	sst s2;
	s4 =	sshll.u32 s1, $0x4;
	s6 =	sshll.u32 s3, $0x3  }
0xb: {  	_ =	strace $0x8000004A;
	s23 =	ssub.s32 $0x2, s3;
	s3 =	sadd.s32 $0x2600, s0  }
0xc: {  	[dreg:$0x5] =	wrdreg s26;
	s26 =	simm.s32 $0x9880;
	s4 =	sor.u32 s6, s4  }
0xd: {  	s8 =	sshrl.u32 s23, $0x1;
	s7 =	sadd.s32 s4, s0;
	s9 =	smul.u32 $0x300, s4  }
0xe: {  	s6 =	ssub.s32 s23, s8;
	s4 =	sadd.s32 $0x2700, s0;
	s8 =	simm.s32 $0x80  }
0xf: {  	s23 =	simm.s32 $0x8080;
	s24 =	sadd.s32 $0x2400, s7;
	s6 =	smax.u32 s6, $0x1  }
0x10: {  	v2 =	vlaneseq.u32;
	s7 =	simm.s32 $0x2;
	[dreg:$0x3] =	wrdreg s24;
	s25 =	sadd.s32 s5, s9  }
0x11: {  	vm0 =	vmmov $0xffff;
	v1 =	vshrl.u32 v2, $0x3;
	s5 =	sadd.s32 $0x2800, s0;
	s9 =	simm.s32 $0x1080;
	s24 =	simm.s32 $0x8880  }
0x12: {  	v0 =	vand.u32 $0x7, v2;
	v2 =	vor.u32 $0x8, v2;
	v1 =	vmul.u32 $0x8, v1;
	s0 =	simm.s32 $0x1;
	[dreg:$0x4] =	wrdreg s25;
	s25 =	simm.s32 $0x9080  }
.LBB2_1:
0x13: {  	s1 =	rddreg [dreg:$0x3]  }
0x14: {  	[tilespmem:s2], [sflag:$0x2] =	stream.linear.gather [hbm4b:s1+s2], $0x40, $0x38;
	[tilespmem:$0xC080] =	vst v63  }
0x15: {  	_ =	swait.ge [sflag:s7], $0x40  }
0x16: {  	[sflag:s7] =	ssyncset.done $0x0  }
0x17: {  	[sflag:s7] =	ssyncadd.s32 $0xFFFFFFC0  }
0x18: {  	v3 =	vld [tilespmem:$0x0];
	_ =	sdelay $0x4  }
0x19: {  	v4 =	vshrl.u32 v3, $0x3  }
0x1a: {  	v4 =	vmul.u32 $0x30, v4  }
0x1b: {  	v3 =	vand.u32 $0x7, v3  }
0x1c: {  	v3 =	vor.u32 v3, v4  }
0x1d: {  	v4 =	vperm.xlane v3, v0;
	_ =	sdelay $0x1  }
0x1e: {  	v4 =	vadd.s32 v1, v4;
	_ =	sdelay $0x3  }
0x1f: {  	v3 =	vperm.xlane v3, v2  }
0x20: {  	[tilespmem:s8], [sflag:$0x1] =	stream.indirect_vreg.gather [hbm4b:s3+s2], $0x80, v4, vm0, $0xb8;
	[tilespmem:$0xC080] =	vst v63  }
0x21: {  	s1 =	rddreg [dreg:$0x5];
	v3 =	vadd.s32 v1, v3  }
0x22: {  	[tilespmem:s1], [sflag:$0x1] =	stream.indirect_vreg.gather [hbm4b:s4+s2], $0x80, v4, vm0, $0xb8;
	[tilespmem:$0xC080] =	vst v63  }
0x23: {  	_ = 	snop  }
0x24: {  	[tilespmem:s9], [sflag:$0x1] =	stream.indirect_vreg.gather [hbm4b:s5+s2], $0x80, v4, vm0, $0xb8;
	[tilespmem:$0xC080] =	vst v63  }
0x25: {  	_ = 	snop  }
0x26: {  	[tilespmem:s10], [sflag:$0x1] =	stream.indirect_vreg.gather [hbm4b:s3+s2], $0x80, v3, vm0, $0xb8;
	[tilespmem:$0xC080] =	vst v63  }
0x27: {  	_ = 	snop  }
0x28: {  	[tilespmem:s11], [sflag:$0x1] =	stream.indirect_vreg.gather [hbm4b:s4+s2], $0x80, v3, vm0, $0xb8;
	[tilespmem:$0xC080] =	vst v63  }
0x29: {  	_ = 	snop  }
0x2a: {  	[tilespmem:s12], [sflag:$0x1] =	stream.indirect_vreg.gather [hbm4b:s5+s2], $0x80, v3, vm0, $0xb8;
	[tilespmem:$0xC080] =	vst v63  }
0x2b: {  	v3 =	vld [tilespmem:$0x10];
	_ =	sdelay $0x4  }
0x2c: {  	v61 =	vshrl.u32 v3, $0x3  }
0x2d: {  	v4 =	vmul.u32 $0x30, v61  }
0x2e: {  	v3 =	vand.u32 $0x7, v3  }
0x2f: {  	v3 =	vor.u32 v3, v4  }
0x30: {  	v4 =	vperm.xlane v3, v0;
	_ =	sdelay $0x1  }
0x31: {  	v4 =	vadd.s32 v1, v4;
	_ =	sdelay $0x3  }
0x32: {  	v3 =	vperm.xlane v3, v2  }
0x33: {  	[tilespmem:s13], [sflag:$0x1] =	stream.indirect_vreg.gather [hbm4b:s3+s2], $0x80, v4, vm0, $0xb8;
	[tilespmem:$0xC080] =	vst v63  }
0x34: {  	v3 =	vadd.s32 v1, v3  }
0x35: {  	[tilespmem:s14], [sflag:$0x1] =	stream.indirect_vreg.gather [hbm4b:s4+s2], $0x80, v4, vm0, $0xb8;
	[tilespmem:$0xC080] =	vst v63  }
0x36: {  	_ = 	snop  }
0x37: {  	[tilespmem:s15], [sflag:$0x1] =	stream.indirect_vreg.gather [hbm4b:s5+s2], $0x80, v4, vm0, $0xb8;
	[tilespmem:$0xC080] =	vst v63  }
0x38: {  	_ = 	snop  }
0x39: {  	[tilespmem:s16], [sflag:$0x1] =	stream.indirect_vreg.gather [hbm4b:s3+s2], $0x80, v3, vm0, $0xb8;
	[tilespmem:$0xC080] =	vst v63  }
0x3a: {  	_ = 	snop  }
0x3b: {  	[tilespmem:s17], [sflag:$0x1] =	stream.indirect_vreg.gather [hbm4b:s4+s2], $0x80, v3, vm0, $0xb8;
	[tilespmem:$0xC080] =	vst v63  }
0x3c: {  	_ = 	snop  }
0x3d: {  	[tilespmem:s18], [sflag:$0x1] =	stream.indirect_vreg.gather [hbm4b:s5+s2], $0x80, v3, vm0, $0xb8;
	[tilespmem:$0xC080] =	vst v63  }
0x3e: {  	v3 =	vld [tilespmem:$0x20];
	_ =	sdelay $0x4  }
0x3f: {  	v62 =	vshrl.u32 v3, $0x3  }
0x40: {  	v4 =	vmul.u32 $0x30, v62  }
0x41: {  	v3 =	vand.u32 $0x7, v3  }
0x42: {  	v3 =	vor.u32 v3, v4  }
0x43: {  	v4 =	vperm.xlane v3, v0;
	_ =	sdelay $0x1  }
0x44: {  	v4 =	vadd.s32 v1, v4;
	_ =	sdelay $0x3  }
0x45: {  	v3 =	vperm.xlane v3, v2  }
0x46: {  	[tilespmem:s19], [sflag:$0x1] =	stream.indirect_vreg.gather [hbm4b:s3+s2], $0x80, v4, vm0, $0xb8;
	[tilespmem:$0xC080] =	vst v63  }
0x47: {  	v3 =	vadd.s32 v1, v3  }
0x48: {  	[tilespmem:s20], [sflag:$0x1] =	stream.indirect_vreg.gather [hbm4b:s4+s2], $0x80, v4, vm0, $0xb8;
	[tilespmem:$0xC080] =	vst v63  }
0x49: {  	_ = 	snop  }
0x4a: {  	[tilespmem:s21], [sflag:$0x1] =	stream.indirect_vreg.gather [hbm4b:s5+s2], $0x80, v4, vm0, $0xb8;
	[tilespmem:$0xC080] =	vst v63  }
0x4b: {  	_ = 	snop  }
0x4c: {  	[tilespmem:s22], [sflag:$0x1] =	stream.indirect_vreg.gather [hbm4b:s3+s2], $0x80, v3, vm0, $0xb8;
	[tilespmem:$0xC080] =	vst v63  }
0x4d: {  	_ = 	snop  }
0x4e: {  	[tilespmem:s23], [sflag:$0x1] =	stream.indirect_vreg.gather [hbm4b:s4+s2], $0x80, v3, vm0, $0xb8;
	[tilespmem:$0xC080] =	vst v63  }
0x4f: {  	_ = 	snop  }
0x50: {  	[tilespmem:s24], [sflag:$0x1] =	stream.indirect_vreg.gather [hbm4b:s5+s2], $0x80, v3, vm0, $0xb8;
	[tilespmem:$0xC080] =	vst v63  }
0x51: {  	v3 =	vld [tilespmem:$0x30];
	_ =	sdelay $0x4  }
0x52: {  	v63 =	vshrl.u32 v3, $0x3  }
0x53: {  	v4 =	vmul.u32 $0x30, v63  }
0x54: {  	v3 =	vand.u32 $0x7, v3  }
0x55: {  	v3 =	vor.u32 v3, v4  }
0x56: {  	v4 =	vperm.xlane v3, v0;
	_ =	sdelay $0x1  }
0x57: {  	v4 =	vadd.s32 v1, v4;
	_ =	sdelay $0x3  }
0x58: {  	v3 =	vperm.xlane v3, v2  }
0x59: {  	[tilespmem:s25], [sflag:$0x1] =	stream.indirect_vreg.gather [hbm4b:s3+s2], $0x80, v4, vm0, $0xb8;
	[tilespmem:$0xC080] =	vst v63  }
0x5a: {  	v3 =	vadd.s32 v1, v3  }
0x5b: {  	[tilespmem:s26], [sflag:$0x1] =	stream.indirect_vreg.gather [hbm4b:s4+s2], $0x80, v4, vm0, $0xb8;
	[tilespmem:$0xC080] =	vst v63  }
0x5c: {  	_ = 	snop  }
0x5d: {  	[tilespmem:s28], [sflag:$0x1] =	stream.indirect_vreg.gather [hbm4b:s5+s2], $0x80, v4, vm0, $0xb8;
	[tilespmem:$0xC080] =	vst v63  }
0x5e: {  	_ = 	snop  }
0x5f: {  	[tilespmem:s29], [sflag:$0x1] =	stream.indirect_vreg.gather [hbm4b:s3+s2], $0x80, v3, vm0, $0xb8;
	[tilespmem:$0xC080] =	vst v63  }
0x60: {  	_ = 	snop  }
0x61: {  	[tilespmem:s30], [sflag:$0x1] =	stream.indirect_vreg.gather [hbm4b:s4+s2], $0x80, v3, vm0, $0xb8;
	[tilespmem:$0xC080] =	vst v63  }
0x62: {  	_ = 	snop  }
0x63: {  	[tilespmem:s31], [sflag:$0x1] =	stream.indirect_vreg.gather [hbm4b:s5+s2], $0x80, v3, vm0, $0xb8;
	[tilespmem:$0xC080] =	vst v63  }
0x64: {  	_ =	swait.ge [sflag:s0], $0xC000  }
0x65: {  	p0 =	sne.s32 s6, $0x1;
	[sflag:s0] =	ssyncset.done $0x0  }
.Ltmp0:
0x66: {  	s1 =	rddreg [dreg:$0x4];
	[sflag:s0] =	ssyncadd.s32 $0xFFFF4000;
	(pc) =	sbr.rel @p0 .LBB2_1-.Ltmp0, $4  }
0x67: {  	[hbm4b:s1+s2] =	stream.linear.scatter [tilespmem:s8], [sflag:$0x2], $0xC000, $0x38;
	[tilespmem:$0xC080] =	vst v63  }
0x68: {  	_ =	swait.ge [sflag:s7], $0xC000  }
0x69: {  	[sflag:s7] =	ssyncset.done $0x0  }
0x6a: {  	s6 =	sadd.s32 $0xFFFFFFFF, s6;
	[sflag:s7] =	ssyncadd.s32 $0xFFFF4000  }
0x6b: {  	_ =	sfence.sel $0x180000  }
0x6c: {  	[bflag:$0x0] =	sbarrier.arrive $0xFFFF  }
0x6d: {  	_ =	strace $0x9000004A  }
0x6e: {  	s0 =	stileid.u32;
	[bflag:$0x2] =	sbarrier.arrive $0xFFFF  }
0x6f: {  	p0 =	sne.s32 s0, $0x0;
	s0 =	rddreg [dreg:$0x2]  }
0x70: {  	s0 =	sadd.s32 @!p0 $0x100000, s0  }
0x71: {  	[sflag:s0] =	ssyncadd.tile.s32 @!p0 $0x1;
	_ =	shalt  }
.Lfunc_end2:
_tile_overlayer_lowered:
.L_overlay_start_2:
0x72: {  	(tag) =	ssettag $0x2  }
0x73: {  	s0 =	rddreg [dreg:$0x0];
	s2 =	stileid.u32  }
0x74: {  	s1 =	rddreg [dreg:$0x1];
	p0 =	sne.s32 s2, $0x0  }
0x75: {  	s3 =	rddreg [dreg:$0x2];
	[bflag:$0x3] =	sbarrier.arrive $0xFFFF;
	s2 =	simm.s32 @!p0 $0x1C02  }
0x76: {  	[timem:s3], [sflag:s2] =	dma.local @!p0 [hbm:s0], s1  }
0x77: {  	s0 =	simm.s32 @!p0 $0x2  }
0x78: {  	_ =	swait.ge @!p0 [sflag:s0], s1  }
0x79: {  	s1 =	ssub.s32 @!p0 $0x0, s1;
	[sflag:s0] =	ssyncset.done @!p0 $0x0  }
0x7a: {  	[sflag:s0] =	ssyncadd.s32 @!p0 s1  }
0x7b: {  	[bflag:$0x3] =	sbarrier.arrive $0xFFFF  }
0x7c: {  	_ =	shalt  }

</sc_bundles>
